<compile_context>
chip_gen: v7x
topology: tpu7x:2x2x1
jax: 0.10.2.dev20260603
libtpu: 0.0.44.dev20260713+nightly
codegen_flags: <defaults>
</compile_context>

<pallas_src>
import functools
import math

import jax
import jax.numpy as jnp
import ml_dtypes
import numpy as np
from jax import lax
from jax.experimental import pallas as pl
from jax.experimental.pallas import tpu as pltpu
from jax.experimental.pallas import tpu_sc as plsc

_T = 2048
_PRED = 256
_K = 16
_M = 1024
_TH = 1032
_R = 512


def _basis():
    tau = np.arange(_T, dtype=np.int64)[:, None]
    m = np.arange(1, _M + 1, dtype=np.int64)[None, :]
    ang = 2.0 * np.pi * ((tau * m) % _T).astype(np.float64) / _T
    c = np.cos(ang)
    s = np.sin(ang)
    c[:, -1] = 0.0
    s[:, -1] = 0.0
    return c.astype(np.float32), s.astype(np.float32)


_C_TABLE, _S_TABLE = _basis()
_C16 = _C_TABLE.astype(ml_dtypes.bfloat16)
_S16 = _S_TABLE.astype(ml_dtypes.bfloat16)


def _fwd_body(x_ref, xf_ref, c_ref, s_ref, re_ref, im_ref):
    xb = jnp.concatenate([x_ref[k] for k in range(4)], axis=1)
    xfb = jnp.concatenate([xf_ref[k] for k in range(4)], axis=1)
    cb = c_ref[...]
    sb = s_ref[...]
    n = xb.shape[1]
    xr = xfb[0:1023, :]
    xmid = xb[1:1024, :]
    zpad = jnp.zeros((7, n), jnp.float32)
    zrow = jnp.zeros((1, n), jnp.float32)
    xe = jnp.concatenate([xb[0:1, :], xmid + xr, xb[1024:1025, :], zpad], 0)
    xo = jnp.concatenate([zrow, xmid - xr, zrow, zpad], 0)
    hi = jax.lax.Precision.HIGHEST
    dn = (((0,), (0,)), ((), ()))
    re_ref[...] = lax.dot_general(xe, cb, dn, precision=hi,
                                  preferred_element_type=jnp.float32)
    im_ref[...] = -lax.dot_general(xo, sb, dn, precision=hi,
                                   preferred_element_type=jnp.float32)


_RPW = _R // 32
_NCH = 4


def _sc_body(re_hbm, im_hbm, a_hbm, b_hbm, re_v, im_v, av, bv, sem1, sem2):
    wid = lax.axis_index("s") * 2 + lax.axis_index("c")
    base = wid * _RPW
    z16 = jnp.zeros((16,), jnp.float32)
    iota16 = lax.iota(jnp.int32, 16)

    cp1 = pltpu.async_copy(re_hbm.at[pl.ds(base, _RPW)], re_v, sem1)
    cp2 = pltpu.async_copy(im_hbm.at[pl.ds(base, _RPW)], im_v, sem2)

    def zero_buf(j, carry):
        for r in range(_RPW):
            av[r, pl.ds(j * 16, 16)] = z16
            bv[r, pl.ds(j * 16, 16)] = z16
        return carry

    lax.fori_loop(0, _M // 16, zero_buf, 0)
    cp1.wait()
    cp2.wait()

    nper = _M // 16 // _NCH

    def do_row(r, carry):
        def mag(i):
            vr = re_v[r, pl.ds(i * 16, 16)]
            vi = im_v[r, pl.ds(i * 16, 16)]
            return vr * vr + vi * vi

        chains = []
        for k in range(_NCH):
            b0, i0 = plsc.sort_key_val(mag(k * nper), iota16 + k * nper * 16,
                                       descending=False)
            chains.extend([b0, i0])

        def chunk(i, carry):
            nxt = []
            for k in range(_NCH):
                best, bidx = carry[2 * k], carry[2 * k + 1]
                ic = k * nper + i
                vd, idxd = plsc.sort_key_val(mag(ic), iota16 + ic * 16,
                                             descending=True)
                take = vd > best
                nb = jnp.where(take, vd, best)
                ni = jnp.where(take, idxd, bidx)
                nb2, ni2 = plsc.sort_key_val(nb, ni, descending=False)
                nxt.extend([nb2, ni2])
            return tuple(nxt)

        chains = lax.fori_loop(1, nper, chunk, tuple(chains))

        def merge(b_a, i_a, b_b, i_b):
            bd, idd = plsc.sort_key_val(b_b, i_b, descending=True)
            take = bd > b_a
            nb = jnp.where(take, bd, b_a)
            ni = jnp.where(take, idd, i_a)
            nb2, ni2 = plsc.sort_key_val(nb, ni, descending=False)
            return nb2, ni2

        b01, i01 = merge(chains[0], chains[1], chains[2], chains[3])
        b23, i23 = merge(chains[4], chains[5], chains[6], chains[7])
        best, bidx = merge(b01, i01, b23, i23)

        rv = iota16 * 0 + r
        scale = 2.0 / _T
        va = plsc.load_gather(re_v, [rv, bidx]) * scale
        vb = plsc.load_gather(im_v, [rv, bidx]) * scale
        plsc.store_scatter(av, [rv, bidx], va)
        plsc.store_scatter(bv, [rv, bidx], vb)
        return carry

    lax.fori_loop(0, _RPW, do_row, 0)
    pltpu.sync_copy(av, a_hbm.at[pl.ds(base, _RPW)])
    pltpu.sync_copy(bv, b_hbm.at[pl.ds(base, _RPW)])


_sc_topk = functools.partial(
    pl.kernel,
    mesh=plsc.VectorSubcoreMesh(core_axis_name="c", subcore_axis_name="s"),
    out_type=(
        jax.ShapeDtypeStruct((_R, _M), jnp.float32),
        jax.ShapeDtypeStruct((_R, _M), jnp.float32),
    ),
    scratch_types=[
        pltpu.VMEM((_RPW, _M), jnp.float32),
        pltpu.VMEM((_RPW, _M), jnp.float32),
        pltpu.VMEM((_RPW, _M), jnp.float32),
        pltpu.VMEM((_RPW, _M), jnp.float32),
        pltpu.SemaphoreType.DMA,
        pltpu.SemaphoreType.DMA,
    ],
    compiler_params=pltpu.CompilerParams(needs_layout_passes=False),
)(_sc_body)


def _inv_body(a_ref, b_ref, c_ref, s_ref, o_ref):
    at = a_ref[...].astype(jnp.bfloat16)
    bt = b_ref[...].astype(jnp.bfloat16)
    cb = c_ref[...]
    sb = s_ref[...]
    dn = (((1,), (1,)), ((), ()))
    md = jax.lax.Precision.DEFAULT
    rec = (lax.dot_general(cb, at, dn, precision=md,
                           preferred_element_type=jnp.float32)
           - lax.dot_general(sb, bt, dn, precision=md,
                             preferred_element_type=jnp.float32))
    for k in range(4):
        cols = slice(64 * k, 64 * (k + 1))
        o_ref[k, : _T, :] = rec[:, cols]
        o_ref[k, _T:, :] = rec[: _PRED, cols]


@jax.jit
def kernel(x):
    b, t, d = x.shape
    xf = jnp.flip(x, axis=1)[:, : _T // 2, :]
    ch = jnp.asarray(_C_TABLE[:_TH])
    sh = jnp.asarray(_S_TABLE[:_TH])
    re_t, im_t = pl.pallas_call(
        _fwd_body,
        grid=(b // 4,),
        in_specs=[
            pl.BlockSpec((4, _TH, 64), lambda i: (i, 0, 0)),
            pl.BlockSpec((4, _T // 2, 64), lambda i: (i, 0, 0)),
            pl.BlockSpec((_TH, _M), lambda i: (0, 0)),
            pl.BlockSpec((_TH, _M), lambda i: (0, 0)),
        ],
        out_specs=[
            pl.BlockSpec((256, _M), lambda i: (i, 0)),
            pl.BlockSpec((256, _M), lambda i: (i, 0)),
        ],
        out_shape=[
            jax.ShapeDtypeStruct((_R, _M), jnp.float32),
            jax.ShapeDtypeStruct((_R, _M), jnp.float32),
        ],
    )(x, xf, ch, sh)
    a_t, b_t = _sc_topk(re_t, im_t)
    return pl.pallas_call(
        _inv_body,
        grid=(b // 4,),
        in_specs=[
            pl.BlockSpec((256, _M), lambda i: (i, 0)),
            pl.BlockSpec((256, _M), lambda i: (i, 0)),
            pl.BlockSpec((_T, _M), lambda i: (0, 0)),
            pl.BlockSpec((_T, _M), lambda i: (0, 0)),
        ],
        out_specs=pl.BlockSpec((4, _T + _PRED, 64), lambda i: (i, 0, 0)),
        out_shape=jax.ShapeDtypeStruct((b, t + _PRED, d), jnp.float32),
    )(a_t, b_t, jnp.asarray(_C16), jnp.asarray(_S16))

# --- scband reference (transcript-rebuilt; emitter-appended) ---
"""Pipeline reference for scband-fourier-decm-layer-13331578487118 (READ-ONLY COPY).

The authoritative reference and input builder live on the scoring server;
editing this copy changes nothing except your own understanding.
"""

import jax, jax.numpy as jnp
import numpy as np
import math

PRED_LEN = 256
K = 16
LOW_FREQ = 1

def setup_inputs(seed: int = 0) -> dict:
    key = jax.random.key(seed)
    x = jax.random.normal(key, (8, 2048, 64), dtype=jnp.float32)
    return {"x": x}

def reference(x):
    b, t, d = x.shape
    x_freq = jnp.fft.rfft(x, axis=1)
    if t % 2 == 0:
        x_freq = x_freq[:, LOW_FREQ:-1]
        f = jnp.fft.rfftfreq(t)[LOW_FREQ:-1]
    else:
        x_freq = x_freq[:, LOW_FREQ:]
        f = jnp.fft.rfftfreq(t)[LOW_FREQ:]
    f = f.astype(jnp.float32)
    # top-k over frequency axis (axis=1), per (batch, channel)
    mag = jnp.abs(x_freq)                      # (b, F, d)
    mag_t = jnp.transpose(mag, (0, 2, 1))      # (b, d, F)
    _, idx = jax.lax.top_k(mag_t, K)           # (b, d, k), sorted descending
    xf_t = jnp.transpose(x_freq, (0, 2, 1))    # (b, d, F)
    xf_sel = jnp.take_along_axis(xf_t, idx, axis=2)  # (b, d, k)
    x_freq_k = jnp.transpose(xf_sel, (0, 2, 1))      # (b, k, d)
    f_sel = f[idx]                             # (b, d, k)
    f_sel = jnp.transpose(f_sel, (0, 2, 1))[:, :, None, :]  # (b, k, 1, d)
    # extrapolate
    x_freq_full = jnp.concatenate([x_freq_k, jnp.conj(x_freq_k)], axis=1)  # (b, 2k, d)
    f_full = jnp.concatenate([f_sel, -f_sel], axis=1)                      # (b, 2k, 1, d)
    t_val = jnp.arange(t + PRED_LEN, dtype=jnp.float32)[None, None, :, None]
    amp = (jnp.abs(x_freq_full) / t)[:, :, None, :]    # (b, 2k, 1, d)
    phase = jnp.angle(x_freq_full)[:, :, None, :]      # (b, 2k, 1, d)
    x_time = amp * jnp.cos(2.0 * math.pi * f_full * t_val + phase)  # (b, 2k, t+pred, d)
    return jnp.sum(x_time, axis=1)             # (b, t+pred_len, d)

if __name__ == "__main__":
    import jax
    _d = setup_inputs()
    print(jax.jit(kernel)(*tuple(_d.values())))

</pallas_src>

<mosaic_0001>
#map = affine_map<(d0, d1) -> (0, 0)>
module attributes {stable_mosaic.version = 14 : i64} {
  func.func @_sc_body(%arg0: i32, %arg1: i32, %arg2: memref<512x1024xf32, #tpu.memory_space<hbm>>, %arg3: memref<512x1024xf32, #tpu.memory_space<hbm>>, %arg4: memref<512x1024xf32, #tpu.memory_space<hbm>>, %arg5: memref<512x1024xf32, #tpu.memory_space<hbm>>, %arg6: memref<16x1024xf32, #tpu.memory_space<vmem>>, %arg7: memref<16x1024xf32, #tpu.memory_space<vmem>>, %arg8: memref<16x1024xf32, #tpu.memory_space<vmem>>, %arg9: memref<16x1024xf32, #tpu.memory_space<vmem>>, %arg10: memref<!tpu.dma_semaphore, #tpu.memory_space<semaphore_mem>>, %arg11: memref<!tpu.dma_semaphore, #tpu.memory_space<semaphore_mem>>) attributes {dimension_semantics = [#tpu.dimension_semantics<core_parallel>, #tpu.dimension_semantics<subcore_parallel>], iteration_bounds = array<i64: 2, 16>, scalar_prefetch = 0 : i64, scratch_operands = 6 : i64, tpu.core_type = #tpu.core_type<sc_vector_subcore>, window_params = [{transform_indices = #map}, {transform_indices = #map}, {transform_indices = #map}, {transform_indices = #map}]} {
    %mul3A = arith.constant 2 : i32
    %mul3A_0 = arith.muli %arg1, %mul3A : i32
    %add3A = arith.addi %mul3A_0, %arg0 : i32
    %mul3A_1 = arith.constant 16 : i32
    %mul3A_2 = arith.muli %add3A, %mul3A_1 : i32
    %broadcast_in_dim3A = arith.constant 0.000000e+00 : f32
    %broadcast_in_dim3A_3 = vector.broadcast %broadcast_in_dim3A : f32 to vector<16xf32>
    %iota3A = tpu.iota {dimensions = array<i32: 0>} : vector<16xi32>
    %dma_start3A = arith.constant 0 : i32
    %dma_start3A_4 = tpu.memref_slice %arg2[%mul3A_2, %dma_start3A] : memref<512x1024xf32, #tpu.memory_space<hbm>> -> memref<16x1024xf32, #tpu.memory_space<hbm>>
    %dma_start3A_5 = arith.constant 0 : i32
    %dma_start3A_6 = tpu.memref_slice %arg2[%mul3A_2, %dma_start3A_5] : memref<512x1024xf32, #tpu.memory_space<hbm>> -> memref<16x1024xf32, #tpu.memory_space<hbm>>
    tpu.enqueue_dma source(%dma_start3A_6 : memref<16x1024xf32, #tpu.memory_space<hbm>>) target(%arg6 : memref<16x1024xf32, #tpu.memory_space<vmem>>) target_semaphore(%arg10 : memref<!tpu.dma_semaphore, #tpu.memory_space<semaphore_mem>>)
    %dma_start3A_7 = arith.constant 0 : i32
    %dma_start3A_8 = tpu.memref_slice %arg3[%mul3A_2, %dma_start3A_7] : memref<512x1024xf32, #tpu.memory_space<hbm>> -> memref<16x1024xf32, #tpu.memory_space<hbm>>
    %dma_start3A_9 = arith.constant 0 : i32
    %dma_start3A_10 = tpu.memref_slice %arg3[%mul3A_2, %dma_start3A_9] : memref<512x1024xf32, #tpu.memory_space<hbm>> -> memref<16x1024xf32, #tpu.memory_space<hbm>>
    tpu.enqueue_dma source(%dma_start3A_10 : memref<16x1024xf32, #tpu.memory_space<hbm>>) target(%arg7 : memref<16x1024xf32, #tpu.memory_space<vmem>>) target_semaphore(%arg11 : memref<!tpu.dma_semaphore, #tpu.memory_space<semaphore_mem>>)
    %scan3A = arith.constant 0 : i32
    %scan3A_11 = arith.constant 0 : i32
    %scan3A_12 = arith.constant 64 : i32
    %scan3A_13 = arith.addi %scan3A_11, %scan3A_12 : i32
    %scan3A_14 = arith.constant 1 : i32
    scf.for %scan3A_29 = %scan3A_11 to %scan3A_13 step %scan3A_14  : i32 {
      %mul3A_30 = arith.constant 16 : i32
      %mul3A_31 = arith.muli %scan3A_29, %mul3A_30 : i32
      %swap3A = arith.constant 0 : i32
      %swap3A_32 = arith.index_cast %swap3A : i32 to index
      %swap3A_33 = arith.index_cast %mul3A_31 : i32 to index
      %swap3A_34 = tpu.vector_load %arg8[%swap3A_32, %swap3A_33] {strides = array<i32>} : memref<16x1024xf32, #tpu.memory_space<vmem>>, vector<16xf32>,
      tpu.vector_store %arg8[%swap3A_32, %swap3A_33], %broadcast_in_dim3A_3 {strides = array<i32>} : memref<16x1024xf32, #tpu.memory_space<vmem>>, vector<16xf32>,
      %mul3A_35 = arith.constant 16 : i32
      %mul3A_36 = arith.muli %scan3A_29, %mul3A_35 : i32
      %swap3A_37 = arith.constant 0 : i32
      %swap3A_38 = arith.index_cast %swap3A_37 : i32 to index
      %swap3A_39 = arith.index_cast %mul3A_36 : i32 to index
      %swap3A_40 = tpu.vector_load %arg9[%swap3A_38, %swap3A_39] {strides = array<i32>} : memref<16x1024xf32, #tpu.memory_space<vmem>>, vector<16xf32>,
      tpu.vector_store %arg9[%swap3A_38, %swap3A_39], %broadcast_in_dim3A_3 {strides = array<i32>} : memref<16x1024xf32, #tpu.memory_space<vmem>>, vector<16xf32>,
      %mul3A_41 = arith.constant 16 : i32
      %mul3A_42 = arith.muli %scan3A_29, %mul3A_41 : i32
      %swap3A_43 = arith.constant 1 : i32
      %swap3A_44 = arith.index_cast %swap3A_43 : i32 to index
      %swap3A_45 = arith.index_cast %mul3A_42 : i32 to index
      %swap3A_46 = tpu.vector_load %arg8[%swap3A_44, %swap3A_45] {strides = array<i32>} : memref<16x1024xf32, #tpu.memory_space<vmem>>, vector<16xf32>,
      tpu.vector_store %arg8[%swap3A_44, %swap3A_45], %broadcast_in_dim3A_3 {strides = array<i32>} : memref<16x1024xf32, #tpu.memory_space<vmem>>, vector<16xf32>,
      %mul3A_47 = arith.constant 16 : i32
      %mul3A_48 = arith.muli %scan3A_29, %mul3A_47 : i32
      %swap3A_49 = arith.constant 1 : i32
      %swap3A_50 = arith.index_cast %swap3A_49 : i32 to index
      %swap3A_51 = arith.index_cast %mul3A_48 : i32 to index
      %swap3A_52 = tpu.vector_load %arg9[%swap3A_50, %swap3A_51] {strides = array<i32>} : memref<16x1024xf32, #tpu.memory_space<vmem>>, vector<16xf32>,
      tpu.vector_store %arg9[%swap3A_50, %swap3A_51], %broadcast_in_dim3A_3 {strides = array<i32>} : memref<16x1024xf32, #tpu.memory_space<vmem>>, vector<16xf32>,
      %mul3A_53 = arith.constant 16 : i32
      %mul3A_54 = arith.muli %scan3A_29, %mul3A_53 : i32
      %swap3A_55 = arith.constant 2 : i32
      %swap3A_56 = arith.index_cast %swap3A_55 : i32 to index
      %swap3A_57 = arith.index_cast %mul3A_54 : i32 to index
      %swap3A_58 = tpu.vector_load %arg8[%swap3A_56, %swap3A_57] {strides = array<i32>} : memref<16x1024xf32, #tpu.memory_space<vmem>>, vector<16xf32>,
      tpu.vector_store %arg8[%swap3A_56, %swap3A_57], %broadcast_in_dim3A_3 {strides = array<i32>} : memref<16x1024xf32, #tpu.memory_space<vmem>>, vector<16xf32>,
      %mul3A_59 = arith.constant 16 : i32
      %mul3A_60 = arith.muli %scan3A_29, %mul3A_59 : i32
      %swap3A_61 = arith.constant 2 : i32
      %swap3A_62 = arith.index_cast %swap3A_61 : i32 to index
      %swap3A_63 = arith.index_cast %mul3A_60 : i32 to index
      %swap3A_64 = tpu.vector_load %arg9[%swap3A_62, %swap3A_63] {strides = array<i32>} : memref<16x1024xf32, #tpu.memory_space<vmem>>, vector<16xf32>,
      tpu.vector_store %arg9[%swap3A_62, %swap3A_63], %broadcast_in_dim3A_3 {strides = array<i32>} : memref<16x1024xf32, #tpu.memory_space<vmem>>, vector<16xf32>,
      %mul3A_65 = arith.constant 16 : i32
      %mul3A_66 = arith.muli %scan3A_29, %mul3A_65 : i32
      %swap3A_67 = arith.constant 3 : i32
      %swap3A_68 = arith.index_cast %swap3A_67 : i32 to index
      %swap3A_69 = arith.index_cast %mul3A_66 : i32 to index
      %swap3A_70 = tpu.vector_load %arg8[%swap3A_68, %swap3A_69] {strides = array<i32>} : memref<16x1024xf32, #tpu.memory_space<vmem>>, vector<16xf32>,
      tpu.vector_store %arg8[%swap3A_68, %swap3A_69], %broadcast_in_dim3A_3 {strides = array<i32>} : memref<16x1024xf32, #tpu.memory_space<vmem>>, vector<16xf32>,
      %mul3A_71 = arith.constant 16 : i32
      %mul3A_72 = arith.muli %scan3A_29, %mul3A_71 : i32
      %swap3A_73 = arith.constant 3 : i32
      %swap3A_74 = arith.index_cast %swap3A_73 : i32 to index
      %swap3A_75 = arith.index_cast %mul3A_72 : i32 to index
      %swap3A_76 = tpu.vector_load %arg9[%swap3A_74, %swap3A_75] {strides = array<i32>} : memref<16x1024xf32, #tpu.memory_space<vmem>>, vector<16xf32>,
      tpu.vector_store %arg9[%swap3A_74, %swap3A_75], %broadcast_in_dim3A_3 {strides = array<i32>} : memref<16x1024xf32, #tpu.memory_space<vmem>>, vector<16xf32>,
      %mul3A_77 = arith.constant 16 : i32
      %mul3A_78 = arith.muli %scan3A_29, %mul3A_77 : i32
      %swap3A_79 = arith.constant 4 : i32
      %swap3A_80 = arith.index_cast %swap3A_79 : i32 to index
      %swap3A_81 = arith.index_cast %mul3A_78 : i32 to index
      %swap3A_82 = tpu.vector_load %arg8[%swap3A_80, %swap3A_81] {strides = array<i32>} : memref<16x1024xf32, #tpu.memory_space<vmem>>, vector<16xf32>,
      tpu.vector_store %arg8[%swap3A_80, %swap3A_81], %broadcast_in_dim3A_3 {strides = array<i32>} : memref<16x1024xf32, #tpu.memory_space<vmem>>, vector<16xf32>,
      %mul3A_83 = arith.constant 16 : i32
      %mul3A_84 = arith.muli %scan3A_29, %mul3A_83 : i32
      %swap3A_85 = arith.constant 4 : i32
      %swap3A_86 = arith.index_cast %swap3A_85 : i32 to index
      %swap3A_87 = arith.index_cast %mul3A_84 : i32 to index
      %swap3A_88 = tpu.vector_load %arg9[%swap3A_86, %swap3A_87] {strides = array<i32>} : memref<16x1024xf32, #tpu.memory_space<vmem>>, vector<16xf32>,
      tpu.vector_store %arg9[%swap3A_86, %swap3A_87], %broadcast_in_dim3A_3 {strides = array<i32>} : memref<16x1024xf32, #tpu.memory_space<vmem>>, vector<16xf32>,
      %mul3A_89 = arith.constant 16 : i32
      %mul3A_90 = arith.muli %scan3A_29, %mul3A_89 : i32
      %swap3A_91 = arith.constant 5 : i32
      %swap3A_92 = arith.index_cast %swap3A_91 : i32 to index
      %swap3A_93 = arith.index_cast %mul3A_90 : i32 to index
      %swap3A_94 = tpu.vector_load %arg8[%swap3A_92, %swap3A_93] {strides = array<i32>} : memref<16x1024xf32, #tpu.memory_space<vmem>>, vector<16xf32>,
      tpu.vector_store %arg8[%swap3A_92, %swap3A_93], %broadcast_in_dim3A_3 {strides = array<i32>} : memref<16x1024xf32, #tpu.memory_space<vmem>>, vector<16xf32>,
      %mul3A_95 = arith.constant 16 : i32
      %mul3A_96 = arith.muli %scan3A_29, %mul3A_95 : i32
      %swap3A_97 = arith.constant 5 : i32
      %swap3A_98 = arith.index_cast %swap3A_97 : i32 to index
      %swap3A_99 = arith.index_cast %mul3A_96 : i32 to index
      %swap3A_100 = tpu.vector_load %arg9[%swap3A_98, %swap3A_99] {strides = array<i32>} : memref<16x1024xf32, #tpu.memory_space<vmem>>, vector<16xf32>,
      tpu.vector_store %arg9[%swap3A_98, %swap3A_99], %broadcast_in_dim3A_3 {strides = array<i32>} : memref<16x1024xf32, #tpu.memory_space<vmem>>, vector<16xf32>,
      %mul3A_101 = arith.constant 16 : i32
      %mul3A_102 = arith.muli %scan3A_29, %mul3A_101 : i32
      %swap3A_103 = arith.constant 6 : i32
      %swap3A_104 = arith.index_cast %swap3A_103 : i32 to index
      %swap3A_105 = arith.index_cast %mul3A_102 : i32 to index
      %swap3A_106 = tpu.vector_load %arg8[%swap3A_104, %swap3A_105] {strides = array<i32>} : memref<16x1024xf32, #tpu.memory_space<vmem>>, vector<16xf32>,
      tpu.vector_store %arg8[%swap3A_104, %swap3A_105], %broadcast_in_dim3A_3 {strides = array<i32>} : memref<16x1024xf32, #tpu.memory_space<vmem>>, vector<16xf32>,
      %mul3A_107 = arith.constant 16 : i32
      %mul3A_108 = arith.muli %scan3A_29, %mul3A_107 : i32
      %swap3A_109 = arith.constant 6 : i32
      %swap3A_110 = arith.index_cast %swap3A_109 : i32 to index
      %swap3A_111 = arith.index_cast %mul3A_108 : i32 to index
      %swap3A_112 = tpu.vector_load %arg9[%swap3A_110, %swap3A_111] {strides = array<i32>} : memref<16x1024xf32, #tpu.memory_space<vmem>>, vector<16xf32>,
      tpu.vector_store %arg9[%swap3A_110, %swap3A_111], %broadcast_in_dim3A_3 {strides = array<i32>} : memref<16x1024xf32, #tpu.memory_space<vmem>>, vector<16xf32>,
      %mul3A_113 = arith.constant 16 : i32
      %mul3A_114 = arith.muli %scan3A_29, %mul3A_113 : i32
      %swap3A_115 = arith.constant 7 : i32
      %swap3A_116 = arith.index_cast %swap3A_115 : i32 to index
      %swap3A_117 = arith.index_cast %mul3A_114 : i32 to index
      %swap3A_118 = tpu.vector_load %arg8[%swap3A_116, %swap3A_117] {strides = array<i32>} : memref<16x1024xf32, #tpu.memory_space<vmem>>, vector<16xf32>,
      tpu.vector_store %arg8[%swap3A_116, %swap3A_117], %broadcast_in_dim3A_3 {strides = array<i32>} : memref<16x1024xf32, #tpu.memory_space<vmem>>, vector<16xf32>,
      %mul3A_119 = arith.constant 16 : i32
      %mul3A_120 = arith.muli %scan3A_29, %mul3A_119 : i32
      %swap3A_121 = arith.constant 7 : i32
      %swap3A_122 = arith.index_cast %swap3A_121 : i32 to index
      %swap3A_123 = arith.index_cast %mul3A_120 : i32 to index
      %swap3A_124 = tpu.vector_load %arg9[%swap3A_122, %swap3A_123] {strides = array<i32>} : memref<16x1024xf32, #tpu.memory_space<vmem>>, vector<16xf32>,
      tpu.vector_store %arg9[%swap3A_122, %swap3A_123], %broadcast_in_dim3A_3 {strides = array<i32>} : memref<16x1024xf32, #tpu.memory_space<vmem>>, vector<16xf32>,
      %mul3A_125 = arith.constant 16 : i32
      %mul3A_126 = arith.muli %scan3A_29, %mul3A_125 : i32
      %swap3A_127 = arith.constant 8 : i32
      %swap3A_128 = arith.index_cast %swap3A_127 : i32 to index
      %swap3A_129 = arith.index_cast %mul3A_126 : i32 to index
      %swap3A_130 = tpu.vector_load %arg8[%swap3A_128, %swap3A_129] {strides = array<i32>} : memref<16x1024xf32, #tpu.memory_space<vmem>>, vector<16xf32>,
      tpu.vector_store %arg8[%swap3A_128, %swap3A_129], %broadcast_in_dim3A_3 {strides = array<i32>} : memref<16x1024xf32, #tpu.memory_space<vmem>>, vector<16xf32>,
      %mul3A_131 = arith.constant 16 : i32
      %mul3A_132 = arith.muli %scan3A_29, %mul3A_131 : i32
      %swap3A_133 = arith.constant 8 : i32
      %swap3A_134 = arith.index_cast %swap3A_133 : i32 to index
      %swap3A_135 = arith.index_cast %mul3A_132 : i32 to index
      %swap3A_136 = tpu.vector_load %arg9[%swap3A_134, %swap3A_135] {strides = array<i32>} : memref<16x1024xf32, #tpu.memory_space<vmem>>, vector<16xf32>,
      tpu.vector_store %arg9[%swap3A_134, %swap3A_135], %broadcast_in_dim3A_3 {strides = array<i32>} : memref<16x1024xf32, #tpu.memory_space<vmem>>, vector<16xf32>,
      %mul3A_137 = arith.constant 16 : i32
      %mul3A_138 = arith.muli %scan3A_29, %mul3A_137 : i32
      %swap3A_139 = arith.constant 9 : i32
      %swap3A_140 = arith.index_cast %swap3A_139 : i32 to index
      %swap3A_141 = arith.index_cast %mul3A_138 : i32 to index
      %swap3A_142 = tpu.vector_load %arg8[%swap3A_140, %swap3A_141] {strides = array<i32>} : memref<16x1024xf32, #tpu.memory_space<vmem>>, vector<16xf32>,
      tpu.vector_store %arg8[%swap3A_140, %swap3A_141], %broadcast_in_dim3A_3 {strides = array<i32>} : memref<16x1024xf32, #tpu.memory_space<vmem>>, vector<16xf32>,
      %mul3A_143 = arith.constant 16 : i32
      %mul3A_144 = arith.muli %scan3A_29, %mul3A_143 : i32
      %swap3A_145 = arith.constant 9 : i32
      %swap3A_146 = arith.index_cast %swap3A_145 : i32 to index
      %swap3A_147 = arith.index_cast %mul3A_144 : i32 to index
      %swap3A_148 = tpu.vector_load %arg9[%swap3A_146, %swap3A_147] {strides = array<i32>} : memref<16x1024xf32, #tpu.memory_space<vmem>>, vector<16xf32>,
      tpu.vector_store %arg9[%swap3A_146, %swap3A_147], %broadcast_in_dim3A_3 {strides = array<i32>} : memref<16x1024xf32, #tpu.memory_space<vmem>>, vector<16xf32>,
      %mul3A_149 = arith.constant 16 : i32
      %mul3A_150 = arith.muli %scan3A_29, %mul3A_149 : i32
      %swap3A_151 = arith.constant 10 : i32
      %swap3A_152 = arith.index_cast %swap3A_151 : i32 to index
      %swap3A_153 = arith.index_cast %mul3A_150 : i32 to index
      %swap3A_154 = tpu.vector_load %arg8[%swap3A_152, %swap3A_153] {strides = array<i32>} : memref<16x1024xf32, #tpu.memory_space<vmem>>, vector<16xf32>,
      tpu.vector_store %arg8[%swap3A_152, %swap3A_153], %broadcast_in_dim3A_3 {strides = array<i32>} : memref<16x1024xf32, #tpu.memory_space<vmem>>, vector<16xf32>,
      %mul3A_155 = arith.constant 16 : i32
      %mul3A_156 = arith.muli %scan3A_29, %mul3A_155 : i32
      %swap3A_157 = arith.constant 10 : i32
      %swap3A_158 = arith.index_cast %swap3A_157 : i32 to index
      %swap3A_159 = arith.index_cast %mul3A_156 : i32 to index
      %swap3A_160 = tpu.vector_load %arg9[%swap3A_158, %swap3A_159] {strides = array<i32>} : memref<16x1024xf32, #tpu.memory_space<vmem>>, vector<16xf32>,
      tpu.vector_store %arg9[%swap3A_158, %swap3A_159], %broadcast_in_dim3A_3 {strides = array<i32>} : memref<16x1024xf32, #tpu.memory_space<vmem>>, vector<16xf32>,
      %mul3A_161 = arith.constant 16 : i32
      %mul3A_162 = arith.muli %scan3A_29, %mul3A_161 : i32
      %swap3A_163 = arith.constant 11 : i32
      %swap3A_164 = arith.index_cast %swap3A_163 : i32 to index
      %swap3A_165 = arith.index_cast %mul3A_162 : i32 to index
      %swap3A_166 = tpu.vector_load %arg8[%swap3A_164, %swap3A_165] {strides = array<i32>} : memref<16x1024xf32, #tpu.memory_space<vmem>>, vector<16xf32>,
      tpu.vector_store %arg8[%swap3A_164, %swap3A_165], %broadcast_in_dim3A_3 {strides = array<i32>} : memref<16x1024xf32, #tpu.memory_space<vmem>>, vector<16xf32>,
      %mul3A_167 = arith.constant 16 : i32
      %mul3A_168 = arith.muli %scan3A_29, %mul3A_167 : i32
      %swap3A_169 = arith.constant 11 : i32
      %swap3A_170 = arith.index_cast %swap3A_169 : i32 to index
      %swap3A_171 = arith.index_cast %mul3A_168 : i32 to index
      %swap3A_172 = tpu.vector_load %arg9[%swap3A_170, %swap3A_171] {strides = array<i32>} : memref<16x1024xf32, #tpu.memory_space<vmem>>, vector<16xf32>,
      tpu.vector_store %arg9[%swap3A_170, %swap3A_171], %broadcast_in_dim3A_3 {strides = array<i32>} : memref<16x1024xf32, #tpu.memory_space<vmem>>, vector<16xf32>,
      %mul3A_173 = arith.constant 16 : i32
      %mul3A_174 = arith.muli %scan3A_29, %mul3A_173 : i32
      %swap3A_175 = arith.constant 12 : i32
      %swap3A_176 = arith.index_cast %swap3A_175 : i32 to index
      %swap3A_177 = arith.index_cast %mul3A_174 : i32 to index
      %swap3A_178 = tpu.vector_load %arg8[%swap3A_176, %swap3A_177] {strides = array<i32>} : memref<16x1024xf32, #tpu.memory_space<vmem>>, vector<16xf32>,
      tpu.vector_store %arg8[%swap3A_176, %swap3A_177], %broadcast_in_dim3A_3 {strides = array<i32>} : memref<16x1024xf32, #tpu.memory_space<vmem>>, vector<16xf32>,
      %mul3A_179 = arith.constant 16 : i32
      %mul3A_180 = arith.muli %scan3A_29, %mul3A_179 : i32
      %swap3A_181 = arith.constant 12 : i32
      %swap3A_182 = arith.index_cast %swap3A_181 : i32 to index
      %swap3A_183 = arith.index_cast %mul3A_180 : i32 to index
      %swap3A_184 = tpu.vector_load %arg9[%swap3A_182, %swap3A_183] {strides = array<i32>} : memref<16x1024xf32, #tpu.memory_space<vmem>>, vector<16xf32>,
      tpu.vector_store %arg9[%swap3A_182, %swap3A_183], %broadcast_in_dim3A_3 {strides = array<i32>} : memref<16x1024xf32, #tpu.memory_space<vmem>>, vector<16xf32>,
      %mul3A_185 = arith.constant 16 : i32
      %mul3A_186 = arith.muli %scan3A_29, %mul3A_185 : i32
      %swap3A_187 = arith.constant 13 : i32
      %swap3A_188 = arith.index_cast %swap3A_187 : i32 to index
      %swap3A_189 = arith.index_cast %mul3A_186 : i32 to index
      %swap3A_190 = tpu.vector_load %arg8[%swap3A_188, %swap3A_189] {strides = array<i32>} : memref<16x1024xf32, #tpu.memory_space<vmem>>, vector<16xf32>,
      tpu.vector_store %arg8[%swap3A_188, %swap3A_189], %broadcast_in_dim3A_3 {strides = array<i32>} : memref<16x1024xf32, #tpu.memory_space<vmem>>, vector<16xf32>,
      %mul3A_191 = arith.constant 16 : i32
      %mul3A_192 = arith.muli %scan3A_29, %mul3A_191 : i32
      %swap3A_193 = arith.constant 13 : i32
      %swap3A_194 = arith.index_cast %swap3A_193 : i32 to index
      %swap3A_195 = arith.index_cast %mul3A_192 : i32 to index
      %swap3A_196 = tpu.vector_load %arg9[%swap3A_194, %swap3A_195] {strides = array<i32>} : memref<16x1024xf32, #tpu.memory_space<vmem>>, vector<16xf32>,
      tpu.vector_store %arg9[%swap3A_194, %swap3A_195], %broadcast_in_dim3A_3 {strides = array<i32>} : memref<16x1024xf32, #tpu.memory_space<vmem>>, vector<16xf32>,
      %mul3A_197 = arith.constant 16 : i32
      %mul3A_198 = arith.muli %scan3A_29, %mul3A_197 : i32
      %swap3A_199 = arith.constant 14 : i32
      %swap3A_200 = arith.index_cast %swap3A_199 : i32 to index
      %swap3A_201 = arith.index_cast %mul3A_198 : i32 to index
      %swap3A_202 = tpu.vector_load %arg8[%swap3A_200, %swap3A_201] {strides = array<i32>} : memref<16x1024xf32, #tpu.memory_space<vmem>>, vector<16xf32>,
      tpu.vector_store %arg8[%swap3A_200, %swap3A_201], %broadcast_in_dim3A_3 {strides = array<i32>} : memref<16x1024xf32, #tpu.memory_space<vmem>>, vector<16xf32>,
      %mul3A_203 = arith.constant 16 : i32
      %mul3A_204 = arith.muli %scan3A_29, %mul3A_203 : i32
      %swap3A_205 = arith.constant 14 : i32
      %swap3A_206 = arith.index_cast %swap3A_205 : i32 to index
      %swap3A_207 = arith.index_cast %mul3A_204 : i32 to index
      %swap3A_208 = tpu.vector_load %arg9[%swap3A_206, %swap3A_207] {strides = array<i32>} : memref<16x1024xf32, #tpu.memory_space<vmem>>, vector<16xf32>,
      tpu.vector_store %arg9[%swap3A_206, %swap3A_207], %broadcast_in_dim3A_3 {strides = array<i32>} : memref<16x1024xf32, #tpu.memory_space<vmem>>, vector<16xf32>,
      %mul3A_209 = arith.constant 16 : i32
      %mul3A_210 = arith.muli %scan3A_29, %mul3A_209 : i32
      %swap3A_211 = arith.constant 15 : i32
      %swap3A_212 = arith.index_cast %swap3A_211 : i32 to index
      %swap3A_213 = arith.index_cast %mul3A_210 : i32 to index
      %swap3A_214 = tpu.vector_load %arg8[%swap3A_212, %swap3A_213] {strides = array<i32>} : memref<16x1024xf32, #tpu.memory_space<vmem>>, vector<16xf32>,
      tpu.vector_store %arg8[%swap3A_212, %swap3A_213], %broadcast_in_dim3A_3 {strides = array<i32>} : memref<16x1024xf32, #tpu.memory_space<vmem>>, vector<16xf32>,
      %mul3A_215 = arith.constant 16 : i32
      %mul3A_216 = arith.muli %scan3A_29, %mul3A_215 : i32
      %swap3A_217 = arith.constant 15 : i32
      %swap3A_218 = arith.index_cast %swap3A_217 : i32 to index
      %swap3A_219 = arith.index_cast %mul3A_216 : i32 to index
      %swap3A_220 = tpu.vector_load %arg9[%swap3A_218, %swap3A_219] {strides = array<i32>} : memref<16x1024xf32, #tpu.memory_space<vmem>>, vector<16xf32>,
      tpu.vector_store %arg9[%swap3A_218, %swap3A_219], %broadcast_in_dim3A_3 {strides = array<i32>} : memref<16x1024xf32, #tpu.memory_space<vmem>>, vector<16xf32>,
    }
    %scan3A_15 = arith.constant 64 : i32
    %dma_wait3A = arith.constant 0 : i32
    %dma_wait3A_16 = tpu.memref_slice %arg2[%mul3A_2, %dma_wait3A] : memref<512x1024xf32, #tpu.memory_space<hbm>> -> memref<16x1024xf32, #tpu.memory_space<hbm>>
    %dma_wait3A_17 = arith.constant 0 : i32
    %dma_wait3A_18 = tpu.memref_slice %arg2[%mul3A_2, %dma_wait3A_17] : memref<512x1024xf32, #tpu.memory_space<hbm>> -> memref<16x1024xf32, #tpu.memory_space<hbm>>
    tpu.wait_dma2 semaphore(%arg10 : memref<!tpu.dma_semaphore, #tpu.memory_space<semaphore_mem>>) src(%dma_wait3A_18 : memref<16x1024xf32, #tpu.memory_space<hbm>>) dst(%arg6 : memref<16x1024xf32, #tpu.memory_space<vmem>>)
    %dma_wait3A_19 = arith.constant 0 : i32
    %dma_wait3A_20 = tpu.memref_slice %arg3[%mul3A_2, %dma_wait3A_19] : memref<512x1024xf32, #tpu.memory_space<hbm>> -> memref<16x1024xf32, #tpu.memory_space<hbm>>
    %dma_wait3A_21 = arith.constant 0 : i32
    %dma_wait3A_22 = tpu.memref_slice %arg3[%mul3A_2, %dma_wait3A_21] : memref<512x1024xf32, #tpu.memory_space<hbm>> -> memref<16x1024xf32, #tpu.memory_space<hbm>>
    tpu.wait_dma2 semaphore(%arg11 : memref<!tpu.dma_semaphore, #tpu.memory_space<semaphore_mem>>) src(%dma_wait3A_22 : memref<16x1024xf32, #tpu.memory_space<hbm>>) dst(%arg7 : memref<16x1024xf32, #tpu.memory_space<vmem>>)
    %scan3A_23 = arith.constant 0 : i32
    %scan3A_24 = arith.constant 0 : i32
    %scan3A_25 = arith.constant 16 : i32
    %scan3A_26 = arith.addi %scan3A_24, %scan3A_25 : i32
    %scan3A_27 = arith.constant 1 : i32
    scf.for %scan3A_29 = %scan3A_24 to %scan3A_26 step %scan3A_27  : i32 {
      %get3A = arith.index_cast %scan3A_29 : i32 to index
      %get3A_30 = arith.constant 0 : index
      %get3A_31 = tpu.vector_load %arg6[%get3A, %get3A_30] {strides = array<i32>} : memref<16x1024xf32, #tpu.memory_space<vmem>>, vector<16xf32>,
      %get3A_32 = arith.index_cast %scan3A_29 : i32 to index
      %get3A_33 = arith.constant 0 : index
      %get3A_34 = tpu.vector_load %arg7[%get3A_32, %get3A_33] {strides = array<i32>} : memref<16x1024xf32, #tpu.memory_space<vmem>>, vector<16xf32>,
      %mul3A_35 = arith.mulf %get3A_31, %get3A_31 : vector<16xf32>
      %mul3A_36 = arith.mulf %get3A_34, %get3A_34 : vector<16xf32>
      %add3A_37 = arith.addf %mul3A_35, %mul3A_36 : vector<16xf32>
      %add3A_38 = arith.constant 0 : i32
      %add3A_39 = vector.broadcast %add3A_38 : i32 to vector<16xi32>
      %add3A_40 = arith.addi %iota3A, %add3A_39 : vector<16xi32>
      %masked_sort3A = arith.constant dense<true> : vector<16xi1>
      %masked_sort3A_41, %masked_sort3A_42, %masked_sort3A_43 = tpu.sort %add3A_37, %add3A_40 masked %masked_sort3A : (vector<16xf32>, vector<16xi32>, vector<16xi1>) -> (vector<16xi1>, vector<16xf32>, vector<16xi32>)
      %get3A_44 = arith.index_cast %scan3A_29 : i32 to index
      %get3A_45 = arith.constant 256 : index
      %get3A_46 = tpu.vector_load %arg6[%get3A_44, %get3A_45] {strides = array<i32>} : memref<16x1024xf32, #tpu.memory_space<vmem>>, vector<16xf32>,
      %get3A_47 = arith.index_cast %scan3A_29 : i32 to index
      %get3A_48 = arith.constant 256 : index
      %get3A_49 = tpu.vector_load %arg7[%get3A_47, %get3A_48] {strides = array<i32>} : memref<16x1024xf32, #tpu.memory_space<vmem>>, vector<16xf32>,
      %mul3A_50 = arith.mulf %get3A_46, %get3A_46 : vector<16xf32>
      %mul3A_51 = arith.mulf %get3A_49, %get3A_49 : vector<16xf32>
      %add3A_52 = arith.addf %mul3A_50, %mul3A_51 : vector<16xf32>
      %add3A_53 = arith.constant 256 : i32
      %add3A_54 = vector.broadcast %add3A_53 : i32 to vector<16xi32>
      %add3A_55 = arith.addi %iota3A, %add3A_54 : vector<16xi32>
      %masked_sort3A_56 = arith.constant dense<true> : vector<16xi1>
      %masked_sort3A_57, %masked_sort3A_58, %masked_sort3A_59 = tpu.sort %add3A_52, %add3A_55 masked %masked_sort3A_56 : (vector<16xf32>, vector<16xi32>, vector<16xi1>) -> (vector<16xi1>, vector<16xf32>, vector<16xi32>)
      %get3A_60 = arith.index_cast %scan3A_29 : i32 to index
      %get3A_61 = arith.constant 512 : index
      %get3A_62 = tpu.vector_load %arg6[%get3A_60, %get3A_61] {strides = array<i32>} : memref<16x1024xf32, #tpu.memory_space<vmem>>, vector<16xf32>,
      %get3A_63 = arith.index_cast %scan3A_29 : i32 to index
      %get3A_64 = arith.constant 512 : index
      %get3A_65 = tpu.vector_load %arg7[%get3A_63, %get3A_64] {strides = array<i32>} : memref<16x1024xf32, #tpu.memory_space<vmem>>, vector<16xf32>,
      %mul3A_66 = arith.mulf %get3A_62, %get3A_62 : vector<16xf32>
      %mul3A_67 = arith.mulf %get3A_65, %get3A_65 : vector<16xf32>
      %add3A_68 = arith.addf %mul3A_66, %mul3A_67 : vector<16xf32>
      %add3A_69 = arith.constant 512 : i32
      %add3A_70 = vector.broadcast %add3A_69 : i32 to vector<16xi32>
      %add3A_71 = arith.addi %iota3A, %add3A_70 : vector<16xi32>
      %masked_sort3A_72 = arith.constant dense<true> : vector<16xi1>
      %masked_sort3A_73, %masked_sort3A_74, %masked_sort3A_75 = tpu.sort %add3A_68, %add3A_71 masked %masked_sort3A_72 : (vector<16xf32>, vector<16xi32>, vector<16xi1>) -> (vector<16xi1>, vector<16xf32>, vector<16xi32>)
      %get3A_76 = arith.index_cast %scan3A_29 : i32 to index
      %get3A_77 = arith.constant 768 : index
      %get3A_78 = tpu.vector_load %arg6[%get3A_76, %get3A_77] {strides = array<i32>} : memref<16x1024xf32, #tpu.memory_space<vmem>>, vector<16xf32>,
      %get3A_79 = arith.index_cast %scan3A_29 : i32 to index
      %get3A_80 = arith.constant 768 : index
      %get3A_81 = tpu.vector_load %arg7[%get3A_79, %get3A_80] {strides = array<i32>} : memref<16x1024xf32, #tpu.memory_space<vmem>>, vector<16xf32>,
      %mul3A_82 = arith.mulf %get3A_78, %get3A_78 : vector<16xf32>
      %mul3A_83 = arith.mulf %get3A_81, %get3A_81 : vector<16xf32>
      %add3A_84 = arith.addf %mul3A_82, %mul3A_83 : vector<16xf32>
      %add3A_85 = arith.constant 768 : i32
      %add3A_86 = vector.broadcast %add3A_85 : i32 to vector<16xi32>
      %add3A_87 = arith.addi %iota3A, %add3A_86 : vector<16xi32>
      %masked_sort3A_88 = arith.constant dense<true> : vector<16xi1>
      %masked_sort3A_89, %masked_sort3A_90, %masked_sort3A_91 = tpu.sort %add3A_84, %add3A_87 masked %masked_sort3A_88 : (vector<16xf32>, vector<16xi32>, vector<16xi1>) -> (vector<16xi1>, vector<16xf32>, vector<16xi32>)
      %scan3A_92 = arith.constant 1 : i32
      %scan3A_93 = arith.constant 15 : i32
      %scan3A_94 = arith.addi %scan3A_92, %scan3A_93 : i32
      %scan3A_95 = arith.constant 1 : i32
      %scan3A_96:8 = scf.for %scan3A_141 = %scan3A_92 to %scan3A_94 step %scan3A_95 iter_args(%scan3A_142 = %masked_sort3A_42, %scan3A_143 = %masked_sort3A_43, %scan3A_144 = %masked_sort3A_58, %scan3A_145 = %masked_sort3A_59, %scan3A_146 = %masked_sort3A_74, %scan3A_147 = %masked_sort3A_75, %scan3A_148 = %masked_sort3A_90, %scan3A_149 = %masked_sort3A_91) -> (vector<16xf32>, vector<16xi32>, vector<16xf32>, vector<16xi32>, vector<16xf32>, vector<16xi32>, vector<16xf32>, vector<16xi32>)  : i32 {
        %add3A_150 = arith.constant 0 : i32
        %add3A_151 = arith.addi %add3A_150, %scan3A_141 : i32
        %mul3A_152 = arith.constant 16 : i32
        %mul3A_153 = arith.muli %add3A_151, %mul3A_152 : i32
        %get3A_154 = arith.index_cast %scan3A_29 : i32 to index
        %get3A_155 = arith.index_cast %mul3A_153 : i32 to index
        %get3A_156 = tpu.vector_load %arg6[%get3A_154, %get3A_155] {strides = array<i32>} : memref<16x1024xf32, #tpu.memory_space<vmem>>, vector<16xf32>,
        %mul3A_157 = arith.constant 16 : i32
        %mul3A_158 = arith.muli %add3A_151, %mul3A_157 : i32
        %get3A_159 = arith.index_cast %scan3A_29 : i32 to index
        %get3A_160 = arith.index_cast %mul3A_158 : i32 to index
        %get3A_161 = tpu.vector_load %arg7[%get3A_159, %get3A_160] {strides = array<i32>} : memref<16x1024xf32, #tpu.memory_space<vmem>>, vector<16xf32>,
        %mul3A_162 = arith.mulf %get3A_156, %get3A_156 : vector<16xf32>
        %mul3A_163 = arith.mulf %get3A_161, %get3A_161 : vector<16xf32>
        %add3A_164 = arith.addf %mul3A_162, %mul3A_163 : vector<16xf32>
        %mul3A_165 = arith.constant 16 : i32
        %mul3A_166 = arith.muli %add3A_151, %mul3A_165 : i32
        %add3A_167 = vector.broadcast %mul3A_166 : i32 to vector<16xi32>
        %add3A_168 = arith.addi %iota3A, %add3A_167 : vector<16xi32>
        %masked_sort3A_169 = arith.constant dense<true> : vector<16xi1>
        %masked_sort3A_170, %masked_sort3A_171, %masked_sort3A_172 = tpu.sort %add3A_164, %add3A_168 masked %masked_sort3A_169 {descending = true} : (vector<16xf32>, vector<16xi32>, vector<16xi1>) -> (vector<16xi1>, vector<16xf32>, vector<16xi32>)
        %gt3A_173 = arith.cmpf ogt, %masked_sort3A_171, %scan3A_142 : vector<16xf32>
        %select_n3A_174 = arith.select %gt3A_173, %masked_sort3A_171, %scan3A_142 : vector<16xi1>, vector<16xf32>
        %select_n3A_175 = arith.select %gt3A_173, %masked_sort3A_172, %scan3A_143 : vector<16xi1>, vector<16xi32>
        %masked_sort3A_176 = arith.constant dense<true> : vector<16xi1>
        %masked_sort3A_177, %masked_sort3A_178, %masked_sort3A_179 = tpu.sort %select_n3A_174, %select_n3A_175 masked %masked_sort3A_176 : (vector<16xf32>, vector<16xi32>, vector<16xi1>) -> (vector<16xi1>, vector<16xf32>, vector<16xi32>)
        %add3A_180 = arith.constant 16 : i32
        %add3A_181 = arith.addi %add3A_180, %scan3A_141 : i32
        %mul3A_182 = arith.constant 16 : i32
        %mul3A_183 = arith.muli %add3A_181, %mul3A_182 : i32
        %get3A_184 = arith.index_cast %scan3A_29 : i32 to index
        %get3A_185 = arith.index_cast %mul3A_183 : i32 to index
        %get3A_186 = tpu.vector_load %arg6[%get3A_184, %get3A_185] {strides = array<i32>} : memref<16x1024xf32, #tpu.memory_space<vmem>>, vector<16xf32>,
        %mul3A_187 = arith.constant 16 : i32
        %mul3A_188 = arith.muli %add3A_181, %mul3A_187 : i32
        %get3A_189 = arith.index_cast %scan3A_29 : i32 to index
        %get3A_190 = arith.index_cast %mul3A_188 : i32 to index
        %get3A_191 = tpu.vector_load %arg7[%get3A_189, %get3A_190] {strides = array<i32>} : memref<16x1024xf32, #tpu.memory_space<vmem>>, vector<16xf32>,
        %mul3A_192 = arith.mulf %get3A_186, %get3A_186 : vector<16xf32>
        %mul3A_193 = arith.mulf %get3A_191, %get3A_191 : vector<16xf32>
        %add3A_194 = arith.addf %mul3A_192, %mul3A_193 : vector<16xf32>
        %mul3A_195 = arith.constant 16 : i32
        %mul3A_196 = arith.muli %add3A_181, %mul3A_195 : i32
        %add3A_197 = vector.broadcast %mul3A_196 : i32 to vector<16xi32>
        %add3A_198 = arith.addi %iota3A, %add3A_197 : vector<16xi32>
        %masked_sort3A_199 = arith.constant dense<true> : vector<16xi1>
        %masked_sort3A_200, %masked_sort3A_201, %masked_sort3A_202 = tpu.sort %add3A_194, %add3A_198 masked %masked_sort3A_199 {descending = true} : (vector<16xf32>, vector<16xi32>, vector<16xi1>) -> (vector<16xi1>, vector<16xf32>, vector<16xi32>)
        %gt3A_203 = arith.cmpf ogt, %masked_sort3A_201, %scan3A_144 : vector<16xf32>
        %select_n3A_204 = arith.select %gt3A_203, %masked_sort3A_201, %scan3A_144 : vector<16xi1>, vector<16xf32>
        %select_n3A_205 = arith.select %gt3A_203, %masked_sort3A_202, %scan3A_145 : vector<16xi1>, vector<16xi32>
        %masked_sort3A_206 = arith.constant dense<true> : vector<16xi1>
        %masked_sort3A_207, %masked_sort3A_208, %masked_sort3A_209 = tpu.sort %select_n3A_204, %select_n3A_205 masked %masked_sort3A_206 : (vector<16xf32>, vector<16xi32>, vector<16xi1>) -> (vector<16xi1>, vector<16xf32>, vector<16xi32>)
        %add3A_210 = arith.constant 32 : i32
        %add3A_211 = arith.addi %add3A_210, %scan3A_141 : i32
        %mul3A_212 = arith.constant 16 : i32
        %mul3A_213 = arith.muli %add3A_211, %mul3A_212 : i32
        %get3A_214 = arith.index_cast %scan3A_29 : i32 to index
        %get3A_215 = arith.index_cast %mul3A_213 : i32 to index
        %get3A_216 = tpu.vector_load %arg6[%get3A_214, %get3A_215] {strides = array<i32>} : memref<16x1024xf32, #tpu.memory_space<vmem>>, vector<16xf32>,
        %mul3A_217 = arith.constant 16 : i32
        %mul3A_218 = arith.muli %add3A_211, %mul3A_217 : i32
        %get3A_219 = arith.index_cast %scan3A_29 : i32 to index
        %get3A_220 = arith.index_cast %mul3A_218 : i32 to index
        %get3A_221 = tpu.vector_load %arg7[%get3A_219, %get3A_220] {strides = array<i32>} : memref<16x1024xf32, #tpu.memory_space<vmem>>, vector<16xf32>,
        %mul3A_222 = arith.mulf %get3A_216, %get3A_216 : vector<16xf32>
        %mul3A_223 = arith.mulf %get3A_221, %get3A_221 : vector<16xf32>
        %add3A_224 = arith.addf %mul3A_222, %mul3A_223 : vector<16xf32>
        %mul3A_225 = arith.constant 16 : i32
        %mul3A_226 = arith.muli %add3A_211, %mul3A_225 : i32
        %add3A_227 = vector.broadcast %mul3A_226 : i32 to vector<16xi32>
        %add3A_228 = arith.addi %iota3A, %add3A_227 : vector<16xi32>
        %masked_sort3A_229 = arith.constant dense<true> : vector<16xi1>
        %masked_sort3A_230, %masked_sort3A_231, %masked_sort3A_232 = tpu.sort %add3A_224, %add3A_228 masked %masked_sort3A_229 {descending = true} : (vector<16xf32>, vector<16xi32>, vector<16xi1>) -> (vector<16xi1>, vector<16xf32>, vector<16xi32>)
        %gt3A_233 = arith.cmpf ogt, %masked_sort3A_231, %scan3A_146 : vector<16xf32>
        %select_n3A_234 = arith.select %gt3A_233, %masked_sort3A_231, %scan3A_146 : vector<16xi1>, vector<16xf32>
        %select_n3A_235 = arith.select %gt3A_233, %masked_sort3A_232, %scan3A_147 : vector<16xi1>, vector<16xi32>
        %masked_sort3A_236 = arith.constant dense<true> : vector<16xi1>
        %masked_sort3A_237, %masked_sort3A_238, %masked_sort3A_239 = tpu.sort %select_n3A_234, %select_n3A_235 masked %masked_sort3A_236 : (vector<16xf32>, vector<16xi32>, vector<16xi1>) -> (vector<16xi1>, vector<16xf32>, vector<16xi32>)
        %add3A_240 = arith.constant 48 : i32
        %add3A_241 = arith.addi %add3A_240, %scan3A_141 : i32
        %mul3A_242 = arith.constant 16 : i32
        %mul3A_243 = arith.muli %add3A_241, %mul3A_242 : i32
        %get3A_244 = arith.index_cast %scan3A_29 : i32 to index
        %get3A_245 = arith.index_cast %mul3A_243 : i32 to index
        %get3A_246 = tpu.vector_load %arg6[%get3A_244, %get3A_245] {strides = array<i32>} : memref<16x1024xf32, #tpu.memory_space<vmem>>, vector<16xf32>,
        %mul3A_247 = arith.constant 16 : i32
        %mul3A_248 = arith.muli %add3A_241, %mul3A_247 : i32
        %get3A_249 = arith.index_cast %scan3A_29 : i32 to index
        %get3A_250 = arith.index_cast %mul3A_248 : i32 to index
        %get3A_251 = tpu.vector_load %arg7[%get3A_249, %get3A_250] {strides = array<i32>} : memref<16x1024xf32, #tpu.memory_space<vmem>>, vector<16xf32>,
        %mul3A_252 = arith.mulf %get3A_246, %get3A_246 : vector<16xf32>
        %mul3A_253 = arith.mulf %get3A_251, %get3A_251 : vector<16xf32>
        %add3A_254 = arith.addf %mul3A_252, %mul3A_253 : vector<16xf32>
        %mul3A_255 = arith.constant 16 : i32
        %mul3A_256 = arith.muli %add3A_241, %mul3A_255 : i32
        %add3A_257 = vector.broadcast %mul3A_256 : i32 to vector<16xi32>
        %add3A_258 = arith.addi %iota3A, %add3A_257 : vector<16xi32>
        %masked_sort3A_259 = arith.constant dense<true> : vector<16xi1>
        %masked_sort3A_260, %masked_sort3A_261, %masked_sort3A_262 = tpu.sort %add3A_254, %add3A_258 masked %masked_sort3A_259 {descending = true} : (vector<16xf32>, vector<16xi32>, vector<16xi1>) -> (vector<16xi1>, vector<16xf32>, vector<16xi32>)
        %gt3A_263 = arith.cmpf ogt, %masked_sort3A_261, %scan3A_148 : vector<16xf32>
        %select_n3A_264 = arith.select %gt3A_263, %masked_sort3A_261, %scan3A_148 : vector<16xi1>, vector<16xf32>
        %select_n3A_265 = arith.select %gt3A_263, %masked_sort3A_262, %scan3A_149 : vector<16xi1>, vector<16xi32>
        %masked_sort3A_266 = arith.constant dense<true> : vector<16xi1>
        %masked_sort3A_267, %masked_sort3A_268, %masked_sort3A_269 = tpu.sort %select_n3A_264, %select_n3A_265 masked %masked_sort3A_266 : (vector<16xf32>, vector<16xi32>, vector<16xi1>) -> (vector<16xi1>, vector<16xf32>, vector<16xi32>)
        scf.yield %masked_sort3A_178, %masked_sort3A_179, %masked_sort3A_208, %masked_sort3A_209, %masked_sort3A_238, %masked_sort3A_239, %masked_sort3A_268, %masked_sort3A_269 : vector<16xf32>, vector<16xi32>, vector<16xf32>, vector<16xi32>, vector<16xf32>, vector<16xi32>, vector<16xf32>, vector<16xi32>
      }
      %scan3A_97 = arith.constant 15 : i32
      %masked_sort3A_98 = arith.constant dense<true> : vector<16xi1>
      %masked_sort3A_99, %masked_sort3A_100, %masked_sort3A_101 = tpu.sort %scan3A_96#2, %scan3A_96#3 masked %masked_sort3A_98 {descending = true} : (vector<16xf32>, vector<16xi32>, vector<16xi1>) -> (vector<16xi1>, vector<16xf32>, vector<16xi32>)
      %gt3A = arith.cmpf ogt, %masked_sort3A_100, %scan3A_96#0 : vector<16xf32>
      %select_n3A = arith.select %gt3A, %masked_sort3A_100, %scan3A_96#0 : vector<16xi1>, vector<16xf32>
      %select_n3A_102 = arith.select %gt3A, %masked_sort3A_101, %scan3A_96#1 : vector<16xi1>, vector<16xi32>
      %masked_sort3A_103 = arith.constant dense<true> : vector<16xi1>
      %masked_sort3A_104, %masked_sort3A_105, %masked_sort3A_106 = tpu.sort %select_n3A, %select_n3A_102 masked %masked_sort3A_103 : (vector<16xf32>, vector<16xi32>, vector<16xi1>) -> (vector<16xi1>, vector<16xf32>, vector<16xi32>)
      %masked_sort3A_107 = arith.constant dense<true> : vector<16xi1>
      %masked_sort3A_108, %masked_sort3A_109, %masked_sort3A_110 = tpu.sort %scan3A_96#6, %scan3A_96#7 masked %masked_sort3A_107 {descending = true} : (vector<16xf32>, vector<16xi32>, vector<16xi1>) -> (vector<16xi1>, vector<16xf32>, vector<16xi32>)
      %gt3A_111 = arith.cmpf ogt, %masked_sort3A_109, %scan3A_96#4 : vector<16xf32>
      %select_n3A_112 = arith.select %gt3A_111, %masked_sort3A_109, %scan3A_96#4 : vector<16xi1>, vector<16xf32>
      %select_n3A_113 = arith.select %gt3A_111, %masked_sort3A_110, %scan3A_96#5 : vector<16xi1>, vector<16xi32>
      %masked_sort3A_114 = arith.constant dense<true> : vector<16xi1>
      %masked_sort3A_115, %masked_sort3A_116, %masked_sort3A_117 = tpu.sort %select_n3A_112, %select_n3A_113 masked %masked_sort3A_114 : (vector<16xf32>, vector<16xi32>, vector<16xi1>) -> (vector<16xi1>, vector<16xf32>, vector<16xi32>)
      %masked_sort3A_118 = arith.constant dense<true> : vector<16xi1>
      %masked_sort3A_119, %masked_sort3A_120, %masked_sort3A_121 = tpu.sort %masked_sort3A_116, %masked_sort3A_117 masked %masked_sort3A_118 {descending = true} : (vector<16xf32>, vector<16xi32>, vector<16xi1>) -> (vector<16xi1>, vector<16xf32>, vector<16xi32>)
      %gt3A_122 = arith.cmpf ogt, %masked_sort3A_120, %masked_sort3A_105 : vector<16xf32>
      %select_n3A_123 = arith.select %gt3A_122, %masked_sort3A_120, %masked_sort3A_105 : vector<16xi1>, vector<16xf32>
      %select_n3A_124 = arith.select %gt3A_122, %masked_sort3A_121, %masked_sort3A_106 : vector<16xi1>, vector<16xi32>
      %masked_sort3A_125 = arith.constant dense<true> : vector<16xi1>
      %masked_sort3A_126, %masked_sort3A_127, %masked_sort3A_128 = tpu.sort %select_n3A_123, %select_n3A_124 masked %masked_sort3A_125 : (vector<16xf32>, vector<16xi32>, vector<16xi1>) -> (vector<16xi1>, vector<16xf32>, vector<16xi32>)
      %mul3A_129 = arith.constant 0 : i32
      %mul3A_130 = vector.broadcast %mul3A_129 : i32 to vector<16xi32>
      %mul3A_131 = arith.muli %iota3A, %mul3A_130 : vector<16xi32>
      %add3A_132 = vector.broadcast %scan3A_29 : i32 to vector<16xi32>
      %add3A_133 = arith.addi %mul3A_131, %add3A_132 : vector<16xi32>
      %gather3A = tpu.vector_load_idx %arg6[%add3A_133, %masked_sort3A_128] : memref<16x1024xf32, #tpu.memory_space<vmem>>[vector<16xi32>, vector<16xi32>], vector<16xf32>,
      %mul3A_134 = arith.constant 9.765625E-4 : f32
      %mul3A_135 = vector.broadcast %mul3A_134 : f32 to vector<16xf32>
      %mul3A_136 = arith.mulf %gather3A, %mul3A_135 : vector<16xf32>
      %gather3A_137 = tpu.vector_load_idx %arg7[%add3A_133, %masked_sort3A_128] : memref<16x1024xf32, #tpu.memory_space<vmem>>[vector<16xi32>, vector<16xi32>], vector<16xf32>,
      %mul3A_138 = arith.constant 9.765625E-4 : f32
      %mul3A_139 = vector.broadcast %mul3A_138 : f32 to vector<16xf32>
      %mul3A_140 = arith.mulf %gather3A_137, %mul3A_139 : vector<16xf32>
      tpu.vector_store_idx %arg8[%add3A_133, %masked_sort3A_128], %mul3A_136 : memref<16x1024xf32, #tpu.memory_space<vmem>>[vector<16xi32>, vector<16xi32>], vector<16xf32>,
      tpu.vector_store_idx %arg9[%add3A_133, %masked_sort3A_128], %mul3A_140 : memref<16x1024xf32, #tpu.memory_space<vmem>>[vector<16xi32>, vector<16xi32>], vector<16xf32>,
    }
    %scan3A_28 = arith.constant 16 : i32
    "tpu.region"() ({
      %run_scoped3A = tpu.sem_alloc : memref<!tpu.dma_semaphore, #tpu.memory_space<semaphore_mem>>
      %dma_start3A_29 = arith.constant 0 : i32
      %dma_start3A_30 = tpu.memref_slice %arg4[%mul3A_2, %dma_start3A_29] : memref<512x1024xf32, #tpu.memory_space<hbm>> -> memref<16x1024xf32, #tpu.memory_space<hbm>>
      %dma_start3A_31 = arith.constant 0 : i32
      %dma_start3A_32 = tpu.memref_slice %arg4[%mul3A_2, %dma_start3A_31] : memref<512x1024xf32, #tpu.memory_space<hbm>> -> memref<16x1024xf32, #tpu.memory_space<hbm>>
      tpu.enqueue_dma source(%arg8 : memref<16x1024xf32, #tpu.memory_space<vmem>>) target(%dma_start3A_32 : memref<16x1024xf32, #tpu.memory_space<hbm>>) target_semaphore(%run_scoped3A : memref<!tpu.dma_semaphore, #tpu.memory_space<semaphore_mem>>)
      %dma_wait3A_33 = arith.constant 0 : i32
      %dma_wait3A_34 = tpu.memref_slice %arg4[%mul3A_2, %dma_wait3A_33] : memref<512x1024xf32, #tpu.memory_space<hbm>> -> memref<16x1024xf32, #tpu.memory_space<hbm>>
      %dma_wait3A_35 = arith.constant 0 : i32
      %dma_wait3A_36 = tpu.memref_slice %arg4[%mul3A_2, %dma_wait3A_35] : memref<512x1024xf32, #tpu.memory_space<hbm>> -> memref<16x1024xf32, #tpu.memory_space<hbm>>
      tpu.wait_dma2 semaphore(%run_scoped3A : memref<!tpu.dma_semaphore, #tpu.memory_space<semaphore_mem>>) src(%arg8 : memref<16x1024xf32, #tpu.memory_space<vmem>>) dst(%dma_wait3A_36 : memref<16x1024xf32, #tpu.memory_space<hbm>>)
      tpu.yield
    }) : () -> ()
    "tpu.region"() ({
      %run_scoped3A = tpu.sem_alloc : memref<!tpu.dma_semaphore, #tpu.memory_space<semaphore_mem>>
      %dma_start3A_29 = arith.constant 0 : i32
      %dma_start3A_30 = tpu.memref_slice %arg5[%mul3A_2, %dma_start3A_29] : memref<512x1024xf32, #tpu.memory_space<hbm>> -> memref<16x1024xf32, #tpu.memory_space<hbm>>
      %dma_start3A_31 = arith.constant 0 : i32
      %dma_start3A_32 = tpu.memref_slice %arg5[%mul3A_2, %dma_start3A_31] : memref<512x1024xf32, #tpu.memory_space<hbm>> -> memref<16x1024xf32, #tpu.memory_space<hbm>>
      tpu.enqueue_dma source(%arg9 : memref<16x1024xf32, #tpu.memory_space<vmem>>) target(%dma_start3A_32 : memref<16x1024xf32, #tpu.memory_space<hbm>>) target_semaphore(%run_scoped3A : memref<!tpu.dma_semaphore, #tpu.memory_space<semaphore_mem>>)
      %dma_wait3A_33 = arith.constant 0 : i32
      %dma_wait3A_34 = tpu.memref_slice %arg5[%mul3A_2, %dma_wait3A_33] : memref<512x1024xf32, #tpu.memory_space<hbm>> -> memref<16x1024xf32, #tpu.memory_space<hbm>>
      %dma_wait3A_35 = arith.constant 0 : i32
      %dma_wait3A_36 = tpu.memref_slice %arg5[%mul3A_2, %dma_wait3A_35] : memref<512x1024xf32, #tpu.memory_space<hbm>> -> memref<16x1024xf32, #tpu.memory_space<hbm>>
      tpu.wait_dma2 semaphore(%run_scoped3A : memref<!tpu.dma_semaphore, #tpu.memory_space<semaphore_mem>>) src(%arg9 : memref<16x1024xf32, #tpu.memory_space<vmem>>) dst(%dma_wait3A_36 : memref<16x1024xf32, #tpu.memory_space<hbm>>)
      tpu.yield
    }) : () -> ()
    return
  }
}

module attributes {stable_mosaic.version = 14 : i64} {
  func.func @_fwd_body(%arg0: i32, %arg1: memref<4x1032x64xf32, #tpu.memory_space<vmem>>, %arg2: memref<4x1024x64xf32, #tpu.memory_space<vmem>>, %arg3: memref<1032x1024xf32, #tpu.memory_space<vmem>>, %arg4: memref<1032x1024xf32, #tpu.memory_space<vmem>>, %arg5: memref<256x1024xf32, #tpu.memory_space<vmem>>, %arg6: memref<256x1024xf32, #tpu.memory_space<vmem>>) attributes {dimension_semantics = [#tpu.dimension_semantics<arbitrary>], iteration_bounds = array<i64: 2>, scalar_prefetch = 0 : i64, scratch_operands = 0 : i64, tpu.core_type = #tpu.core_type<tc>, window_params = [{transform_indices = @transform_0, window_bounds = array<i64: 4, 1032, 64>}, {transform_indices = @transform_1, window_bounds = array<i64: 4, 1024, 64>}, {pipeline_mode = #tpu.pipeline_mode<synchronous>, transform_indices = @transform_2, window_bounds = array<i64: 1032, 1024>}, {pipeline_mode = #tpu.pipeline_mode<synchronous>, transform_indices = @transform_3, window_bounds = array<i64: 1032, 1024>}, {transform_indices = @transform_4, window_bounds = array<i64: 256, 1024>}, {transform_indices = @transform_5, window_bounds = array<i64: 256, 1024>}]} {
    %get3A = arith.constant 0 : index
    %get3A_0 = arith.constant 0 : index
    %get3A_1 = arith.constant 0 : index
    %get3A_2 = vector.load %arg1[%get3A, %get3A_0, %get3A_1] : memref<4x1032x64xf32, #tpu.memory_space<vmem>>, vector<1x1032x64xf32>
    %get3A_3 = vector.shape_cast %get3A_2 : vector<1x1032x64xf32> to vector<1032x64xf32>
    %get3A_4 = arith.constant 1 : index
    %get3A_5 = arith.constant 0 : index
    %get3A_6 = arith.constant 0 : index
    %get3A_7 = vector.load %arg1[%get3A_4, %get3A_5, %get3A_6] : memref<4x1032x64xf32, #tpu.memory_space<vmem>>, vector<1x1032x64xf32>
    %get3A_8 = vector.shape_cast %get3A_7 : vector<1x1032x64xf32> to vector<1032x64xf32>
    %get3A_9 = arith.constant 2 : index
    %get3A_10 = arith.constant 0 : index
    %get3A_11 = arith.constant 0 : index
    %get3A_12 = vector.load %arg1[%get3A_9, %get3A_10, %get3A_11] : memref<4x1032x64xf32, #tpu.memory_space<vmem>>, vector<1x1032x64xf32>
    %get3A_13 = vector.shape_cast %get3A_12 : vector<1x1032x64xf32> to vector<1032x64xf32>
    %get3A_14 = arith.constant 3 : index
    %get3A_15 = arith.constant 0 : index
    %get3A_16 = arith.constant 0 : index
    %get3A_17 = vector.load %arg1[%get3A_14, %get3A_15, %get3A_16] : memref<4x1032x64xf32, #tpu.memory_space<vmem>>, vector<1x1032x64xf32>
    %get3A_18 = vector.shape_cast %get3A_17 : vector<1x1032x64xf32> to vector<1032x64xf32>
    %concatenate3A = tpu.concatenate %get3A_3, %get3A_8, %get3A_13, %get3A_18 in 1 : vector<1032x64xf32>, vector<1032x64xf32>, vector<1032x64xf32>, vector<1032x64xf32> -> vector<1032x256xf32>
    %get3A_19 = arith.constant 0 : index
    %get3A_20 = arith.constant 0 : index
    %get3A_21 = arith.constant 0 : index
    %get3A_22 = vector.load %arg2[%get3A_19, %get3A_20, %get3A_21] : memref<4x1024x64xf32, #tpu.memory_space<vmem>>, vector<1x1024x64xf32>
    %get3A_23 = vector.shape_cast %get3A_22 : vector<1x1024x64xf32> to vector<1024x64xf32>
    %get3A_24 = arith.constant 1 : index
    %get3A_25 = arith.constant 0 : index
    %get3A_26 = arith.constant 0 : index
    %get3A_27 = vector.load %arg2[%get3A_24, %get3A_25, %get3A_26] : memref<4x1024x64xf32, #tpu.memory_space<vmem>>, vector<1x1024x64xf32>
    %get3A_28 = vector.shape_cast %get3A_27 : vector<1x1024x64xf32> to vector<1024x64xf32>
    %get3A_29 = arith.constant 2 : index
    %get3A_30 = arith.constant 0 : index
    %get3A_31 = arith.constant 0 : index
    %get3A_32 = vector.load %arg2[%get3A_29, %get3A_30, %get3A_31] : memref<4x1024x64xf32, #tpu.memory_space<vmem>>, vector<1x1024x64xf32>
    %get3A_33 = vector.shape_cast %get3A_32 : vector<1x1024x64xf32> to vector<1024x64xf32>
    %get3A_34 = arith.constant 3 : index
    %get3A_35 = arith.constant 0 : index
    %get3A_36 = arith.constant 0 : index
    %get3A_37 = vector.load %arg2[%get3A_34, %get3A_35, %get3A_36] : memref<4x1024x64xf32, #tpu.memory_space<vmem>>, vector<1x1024x64xf32>
    %get3A_38 = vector.shape_cast %get3A_37 : vector<1x1024x64xf32> to vector<1024x64xf32>
    %concatenate3A_39 = tpu.concatenate %get3A_23, %get3A_28, %get3A_33, %get3A_38 in 1 : vector<1024x64xf32>, vector<1024x64xf32>, vector<1024x64xf32>, vector<1024x64xf32> -> vector<1024x256xf32>
    %get3A_40 = arith.constant 0 : index
    %get3A_41 = arith.constant 0 : index
    %get3A_42 = vector.load %arg3[%get3A_40, %get3A_41] : memref<1032x1024xf32, #tpu.memory_space<vmem>>, vector<1032x1024xf32>
    %get3A_43 = arith.constant 0 : index
    %get3A_44 = arith.constant 0 : index
    %get3A_45 = vector.load %arg4[%get3A_43, %get3A_44] : memref<1032x1024xf32, #tpu.memory_space<vmem>>, vector<1032x1024xf32>
    %slice3A = vector.extract_strided_slice %concatenate3A_39 {offsets = [0, 0], sizes = [1023, 256], strides = [1, 1]} : vector<1024x256xf32> to vector<1023x256xf32>
    %slice3A_46 = vector.extract_strided_slice %concatenate3A {offsets = [1, 0], sizes = [1023, 256], strides = [1, 1]} : vector<1032x256xf32> to vector<1023x256xf32>
    %broadcast_in_dim3A = arith.constant 0.000000e+00 : f32
    %broadcast_in_dim3A_47 = vector.broadcast %broadcast_in_dim3A : f32 to vector<7x256xf32>
    %broadcast_in_dim3A_48 = arith.constant 0.000000e+00 : f32
    %broadcast_in_dim3A_49 = vector.broadcast %broadcast_in_dim3A_48 : f32 to vector<1x256xf32>
    %slice3A_50 = vector.extract_strided_slice %concatenate3A {offsets = [0, 0], sizes = [1, 256], strides = [1, 1]} : vector<1032x256xf32> to vector<1x256xf32>
    %add3A = arith.addf %slice3A_46, %slice3A : vector<1023x256xf32>
    %slice3A_51 = vector.extract_strided_slice %concatenate3A {offsets = [1024, 0], sizes = [1, 256], strides = [1, 1]} : vector<1032x256xf32> to vector<1x256xf32>
    %concatenate3A_52 = tpu.concatenate %slice3A_50, %add3A, %slice3A_51, %broadcast_in_dim3A_47 in 0 : vector<1x256xf32>, vector<1023x256xf32>, vector<1x256xf32>, vector<7x256xf32> -> vector<1032x256xf32>
    %sub3A = arith.subf %slice3A_46, %slice3A : vector<1023x256xf32>
    %concatenate3A_53 = tpu.concatenate %broadcast_in_dim3A_49, %sub3A, %broadcast_in_dim3A_49, %broadcast_in_dim3A_47 in 0 : vector<1x256xf32>, vector<1023x256xf32>, vector<1x256xf32>, vector<7x256xf32> -> vector<1032x256xf32>
    %dot_general3A = arith.constant dense<0.000000e+00> : vector<256x1024xf32>
    %dot_general3A_54 = tpu.matmul %concatenate3A_52, %get3A_42, %dot_general3A {dimension_numbers = #tpu.dot_dimension_numbers<[0], [0], [1], [1], [0, 1, 1, 1], [], []>, precision = #tpu.contract_precision<fp32>, transpose_lhs_hint = false} : vector<1032x256xf32>, vector<1032x1024xf32>, vector<256x1024xf32> -> vector<256x1024xf32>
    %swap3A = arith.constant 0 : index
    %swap3A_55 = arith.constant 0 : index
    %swap3A_56 = vector.load %arg5[%swap3A, %swap3A_55] : memref<256x1024xf32, #tpu.memory_space<vmem>>, vector<256x1024xf32>
    tpu.vector_store %arg5[%swap3A, %swap3A_55], %dot_general3A_54 {strides = array<i32>} : memref<256x1024xf32, #tpu.memory_space<vmem>>, vector<256x1024xf32>,
    %dot_general3A_57 = arith.constant dense<0.000000e+00> : vector<256x1024xf32>
    %dot_general3A_58 = tpu.matmul %concatenate3A_53, %get3A_45, %dot_general3A_57 {dimension_numbers = #tpu.dot_dimension_numbers<[0], [0], [1], [1], [0, 1, 1, 1], [], []>, precision = #tpu.contract_precision<fp32>, transpose_lhs_hint = false} : vector<1032x256xf32>, vector<1032x1024xf32>, vector<256x1024xf32> -> vector<256x1024xf32>
    %neg3A = arith.constant 0.000000e+00 : f32
    %neg3A_59 = vector.broadcast %neg3A : f32 to vector<256x1024xf32>
    %neg3A_60 = arith.subf %neg3A_59, %dot_general3A_58 : vector<256x1024xf32>
    %swap3A_61 = arith.constant 0 : index
    %swap3A_62 = arith.constant 0 : index
    %swap3A_63 = vector.load %arg6[%swap3A_61, %swap3A_62] : memref<256x1024xf32, #tpu.memory_space<vmem>>, vector<256x1024xf32>
    tpu.vector_store %arg6[%swap3A_61, %swap3A_62], %neg3A_60 {strides = array<i32>} : memref<256x1024xf32, #tpu.memory_space<vmem>>, vector<256x1024xf32>,
    return
  }
  func.func @transform_0(%arg0: i32) -> (i32, i32, i32) {
    %c0_i32 = arith.constant 0 : i32
    %c0_i32_0 = arith.constant 0 : i32
    %c0_i32_1 = arith.constant 0 : i32
    return %arg0, %c0_i32, %c0_i32_0 : i32, i32, i32
  }
  func.func @transform_1(%arg0: i32) -> (i32, i32, i32) {
    %c0_i32 = arith.constant 0 : i32
    %c0_i32_0 = arith.constant 0 : i32
    %c0_i32_1 = arith.constant 0 : i32
    return %arg0, %c0_i32, %c0_i32_0 : i32, i32, i32
  }
  func.func @transform_2(%arg0: i32) -> (i32, i32) {
    %c0_i32 = arith.constant 0 : i32
    %c0_i32_0 = arith.constant 0 : i32
    %c0_i32_1 = arith.constant 0 : i32
    return %c0_i32, %c0_i32_0 : i32, i32
  }
  func.func @transform_3(%arg0: i32) -> (i32, i32) {
    %c0_i32 = arith.constant 0 : i32
    %c0_i32_0 = arith.constant 0 : i32
    %c0_i32_1 = arith.constant 0 : i32
    return %c0_i32, %c0_i32_0 : i32, i32
  }
  func.func @transform_4(%arg0: i32) -> (i32, i32) {
    %c0_i32 = arith.constant 0 : i32
    %c0_i32_0 = arith.constant 0 : i32
    return %arg0, %c0_i32 : i32, i32
  }
  func.func @transform_5(%arg0: i32) -> (i32, i32) {
    %c0_i32 = arith.constant 0 : i32
    %c0_i32_0 = arith.constant 0 : i32
    return %arg0, %c0_i32 : i32, i32
  }
}

module attributes {stable_mosaic.version = 14 : i64} {
  func.func @_inv_body(%arg0: i32, %arg1: memref<256x1024xf32, #tpu.memory_space<vmem>>, %arg2: memref<256x1024xf32, #tpu.memory_space<vmem>>, %arg3: memref<2048x1024xbf16, #tpu.memory_space<vmem>>, %arg4: memref<2048x1024xbf16, #tpu.memory_space<vmem>>, %arg5: memref<4x2304x64xf32, #tpu.memory_space<vmem>>) attributes {dimension_semantics = [#tpu.dimension_semantics<arbitrary>], iteration_bounds = array<i64: 2>, scalar_prefetch = 0 : i64, scratch_operands = 0 : i64, tpu.core_type = #tpu.core_type<tc>, window_params = [{transform_indices = @transform_0, window_bounds = array<i64: 256, 1024>}, {transform_indices = @transform_1, window_bounds = array<i64: 256, 1024>}, {pipeline_mode = #tpu.pipeline_mode<synchronous>, transform_indices = @transform_2, window_bounds = array<i64: 2048, 1024>}, {pipeline_mode = #tpu.pipeline_mode<synchronous>, transform_indices = @transform_3, window_bounds = array<i64: 2048, 1024>}, {transform_indices = @transform_4, window_bounds = array<i64: 4, 2304, 64>}]} {
    %get3A = arith.constant 0 : index
    %get3A_0 = arith.constant 0 : index
    %get3A_1 = vector.load %arg1[%get3A, %get3A_0] : memref<256x1024xf32, #tpu.memory_space<vmem>>, vector<256x1024xf32>
    %convert_element_type3A = arith.truncf %get3A_1 : vector<256x1024xf32> to vector<256x1024xbf16>
    %get3A_2 = arith.constant 0 : index
    %get3A_3 = arith.constant 0 : index
    %get3A_4 = vector.load %arg2[%get3A_2, %get3A_3] : memref<256x1024xf32, #tpu.memory_space<vmem>>, vector<256x1024xf32>
    %convert_element_type3A_5 = arith.truncf %get3A_4 : vector<256x1024xf32> to vector<256x1024xbf16>
    %get3A_6 = arith.constant 0 : index
    %get3A_7 = arith.constant 0 : index
    %get3A_8 = vector.load %arg3[%get3A_6, %get3A_7] : memref<2048x1024xbf16, #tpu.memory_space<vmem>>, vector<2048x1024xbf16>
    %get3A_9 = arith.constant 0 : index
    %get3A_10 = arith.constant 0 : index
    %get3A_11 = vector.load %arg4[%get3A_9, %get3A_10] : memref<2048x1024xbf16, #tpu.memory_space<vmem>>, vector<2048x1024xbf16>
    %dot_general3A = arith.constant dense<0.000000e+00> : vector<2048x256xf32>
    %dot_general3A_12 = tpu.matmul %get3A_8, %convert_element_type3A, %dot_general3A {dimension_numbers = #tpu.dot_dimension_numbers<[1], [1], [0], [0], [0, 0, 1, 0], [], []>, transpose_lhs_hint = false} : vector<2048x1024xbf16>, vector<256x1024xbf16>, vector<2048x256xf32> -> vector<2048x256xf32>
    %dot_general3A_13 = arith.constant dense<0.000000e+00> : vector<2048x256xf32>
    %dot_general3A_14 = tpu.matmul %get3A_11, %convert_element_type3A_5, %dot_general3A_13 {dimension_numbers = #tpu.dot_dimension_numbers<[1], [1], [0], [0], [0, 0, 1, 0], [], []>, transpose_lhs_hint = false} : vector<2048x1024xbf16>, vector<256x1024xbf16>, vector<2048x256xf32> -> vector<2048x256xf32>
    %sub3A = arith.subf %dot_general3A_12, %dot_general3A_14 : vector<2048x256xf32>
    %slice3A = vector.extract_strided_slice %sub3A {offsets = [0, 0], sizes = [2048, 64], strides = [1, 1]} : vector<2048x256xf32> to vector<2048x64xf32>
    %swap3A = arith.constant 0 : index
    %swap3A_15 = arith.constant 0 : index
    %swap3A_16 = arith.constant 0 : index
    %swap3A_17 = vector.load %arg5[%swap3A, %swap3A_15, %swap3A_16] : memref<4x2304x64xf32, #tpu.memory_space<vmem>>, vector<1x2048x64xf32>
    %swap3A_18 = vector.shape_cast %swap3A_17 : vector<1x2048x64xf32> to vector<2048x64xf32>
    %swap3A_19 = vector.shape_cast %slice3A : vector<2048x64xf32> to vector<1x2048x64xf32>
    tpu.vector_store %arg5[%swap3A, %swap3A_15, %swap3A_16], %swap3A_19 {strides = array<i32>} : memref<4x2304x64xf32, #tpu.memory_space<vmem>>, vector<1x2048x64xf32>,
    %slice3A_20 = vector.extract_strided_slice %sub3A {offsets = [0, 0], sizes = [256, 64], strides = [1, 1]} : vector<2048x256xf32> to vector<256x64xf32>
    %swap3A_21 = arith.constant 0 : index
    %swap3A_22 = arith.constant 2048 : index
    %swap3A_23 = arith.constant 0 : index
    %swap3A_24 = vector.load %arg5[%swap3A_21, %swap3A_22, %swap3A_23] : memref<4x2304x64xf32, #tpu.memory_space<vmem>>, vector<1x256x64xf32>
    %swap3A_25 = vector.shape_cast %swap3A_24 : vector<1x256x64xf32> to vector<256x64xf32>
    %swap3A_26 = vector.shape_cast %slice3A_20 : vector<256x64xf32> to vector<1x256x64xf32>
    tpu.vector_store %arg5[%swap3A_21, %swap3A_22, %swap3A_23], %swap3A_26 {strides = array<i32>} : memref<4x2304x64xf32, #tpu.memory_space<vmem>>, vector<1x256x64xf32>,
    %slice3A_27 = vector.extract_strided_slice %sub3A {offsets = [0, 64], sizes = [2048, 64], strides = [1, 1]} : vector<2048x256xf32> to vector<2048x64xf32>
    %swap3A_28 = arith.constant 1 : index
    %swap3A_29 = arith.constant 0 : index
    %swap3A_30 = arith.constant 0 : index
    %swap3A_31 = vector.load %arg5[%swap3A_28, %swap3A_29, %swap3A_30] : memref<4x2304x64xf32, #tpu.memory_space<vmem>>, vector<1x2048x64xf32>
    %swap3A_32 = vector.shape_cast %swap3A_31 : vector<1x2048x64xf32> to vector<2048x64xf32>
    %swap3A_33 = vector.shape_cast %slice3A_27 : vector<2048x64xf32> to vector<1x2048x64xf32>
    tpu.vector_store %arg5[%swap3A_28, %swap3A_29, %swap3A_30], %swap3A_33 {strides = array<i32>} : memref<4x2304x64xf32, #tpu.memory_space<vmem>>, vector<1x2048x64xf32>,
    %slice3A_34 = vector.extract_strided_slice %sub3A {offsets = [0, 64], sizes = [256, 64], strides = [1, 1]} : vector<2048x256xf32> to vector<256x64xf32>
    %swap3A_35 = arith.constant 1 : index
    %swap3A_36 = arith.constant 2048 : index
    %swap3A_37 = arith.constant 0 : index
    %swap3A_38 = vector.load %arg5[%swap3A_35, %swap3A_36, %swap3A_37] : memref<4x2304x64xf32, #tpu.memory_space<vmem>>, vector<1x256x64xf32>
    %swap3A_39 = vector.shape_cast %swap3A_38 : vector<1x256x64xf32> to vector<256x64xf32>
    %swap3A_40 = vector.shape_cast %slice3A_34 : vector<256x64xf32> to vector<1x256x64xf32>
    tpu.vector_store %arg5[%swap3A_35, %swap3A_36, %swap3A_37], %swap3A_40 {strides = array<i32>} : memref<4x2304x64xf32, #tpu.memory_space<vmem>>, vector<1x256x64xf32>,
    %slice3A_41 = vector.extract_strided_slice %sub3A {offsets = [0, 128], sizes = [2048, 64], strides = [1, 1]} : vector<2048x256xf32> to vector<2048x64xf32>
    %swap3A_42 = arith.constant 2 : index
    %swap3A_43 = arith.constant 0 : index
    %swap3A_44 = arith.constant 0 : index
    %swap3A_45 = vector.load %arg5[%swap3A_42, %swap3A_43, %swap3A_44] : memref<4x2304x64xf32, #tpu.memory_space<vmem>>, vector<1x2048x64xf32>
    %swap3A_46 = vector.shape_cast %swap3A_45 : vector<1x2048x64xf32> to vector<2048x64xf32>
    %swap3A_47 = vector.shape_cast %slice3A_41 : vector<2048x64xf32> to vector<1x2048x64xf32>
    tpu.vector_store %arg5[%swap3A_42, %swap3A_43, %swap3A_44], %swap3A_47 {strides = array<i32>} : memref<4x2304x64xf32, #tpu.memory_space<vmem>>, vector<1x2048x64xf32>,
    %slice3A_48 = vector.extract_strided_slice %sub3A {offsets = [0, 128], sizes = [256, 64], strides = [1, 1]} : vector<2048x256xf32> to vector<256x64xf32>
    %swap3A_49 = arith.constant 2 : index
    %swap3A_50 = arith.constant 2048 : index
    %swap3A_51 = arith.constant 0 : index
    %swap3A_52 = vector.load %arg5[%swap3A_49, %swap3A_50, %swap3A_51] : memref<4x2304x64xf32, #tpu.memory_space<vmem>>, vector<1x256x64xf32>
    %swap3A_53 = vector.shape_cast %swap3A_52 : vector<1x256x64xf32> to vector<256x64xf32>
    %swap3A_54 = vector.shape_cast %slice3A_48 : vector<256x64xf32> to vector<1x256x64xf32>
    tpu.vector_store %arg5[%swap3A_49, %swap3A_50, %swap3A_51], %swap3A_54 {strides = array<i32>} : memref<4x2304x64xf32, #tpu.memory_space<vmem>>, vector<1x256x64xf32>,
    %slice3A_55 = vector.extract_strided_slice %sub3A {offsets = [0, 192], sizes = [2048, 64], strides = [1, 1]} : vector<2048x256xf32> to vector<2048x64xf32>
    %swap3A_56 = arith.constant 3 : index
    %swap3A_57 = arith.constant 0 : index
    %swap3A_58 = arith.constant 0 : index
    %swap3A_59 = vector.load %arg5[%swap3A_56, %swap3A_57, %swap3A_58] : memref<4x2304x64xf32, #tpu.memory_space<vmem>>, vector<1x2048x64xf32>
    %swap3A_60 = vector.shape_cast %swap3A_59 : vector<1x2048x64xf32> to vector<2048x64xf32>
    %swap3A_61 = vector.shape_cast %slice3A_55 : vector<2048x64xf32> to vector<1x2048x64xf32>
    tpu.vector_store %arg5[%swap3A_56, %swap3A_57, %swap3A_58], %swap3A_61 {strides = array<i32>} : memref<4x2304x64xf32, #tpu.memory_space<vmem>>, vector<1x2048x64xf32>,
    %slice3A_62 = vector.extract_strided_slice %sub3A {offsets = [0, 192], sizes = [256, 64], strides = [1, 1]} : vector<2048x256xf32> to vector<256x64xf32>
    %swap3A_63 = arith.constant 3 : index
    %swap3A_64 = arith.constant 2048 : index
    %swap3A_65 = arith.constant 0 : index
    %swap3A_66 = vector.load %arg5[%swap3A_63, %swap3A_64, %swap3A_65] : memref<4x2304x64xf32, #tpu.memory_space<vmem>>, vector<1x256x64xf32>
    %swap3A_67 = vector.shape_cast %swap3A_66 : vector<1x256x64xf32> to vector<256x64xf32>
    %swap3A_68 = vector.shape_cast %slice3A_62 : vector<256x64xf32> to vector<1x256x64xf32>
    tpu.vector_store %arg5[%swap3A_63, %swap3A_64, %swap3A_65], %swap3A_68 {strides = array<i32>} : memref<4x2304x64xf32, #tpu.memory_space<vmem>>, vector<1x256x64xf32>,
    return
  }
  func.func @transform_0(%arg0: i32) -> (i32, i32) {
    %c0_i32 = arith.constant 0 : i32
    %c0_i32_0 = arith.constant 0 : i32
    return %arg0, %c0_i32 : i32, i32
  }
  func.func @transform_1(%arg0: i32) -> (i32, i32) {
    %c0_i32 = arith.constant 0 : i32
    %c0_i32_0 = arith.constant 0 : i32
    return %arg0, %c0_i32 : i32, i32
  }
  func.func @transform_2(%arg0: i32) -> (i32, i32) {
    %c0_i32 = arith.constant 0 : i32
    %c0_i32_0 = arith.constant 0 : i32
    %c0_i32_1 = arith.constant 0 : i32
    return %c0_i32, %c0_i32_0 : i32, i32
  }
  func.func @transform_3(%arg0: i32) -> (i32, i32) {
    %c0_i32 = arith.constant 0 : i32
    %c0_i32_0 = arith.constant 0 : i32
    %c0_i32_1 = arith.constant 0 : i32
    return %c0_i32, %c0_i32_0 : i32, i32
  }
  func.func @transform_4(%arg0: i32) -> (i32, i32, i32) {
    %c0_i32 = arith.constant 0 : i32
    %c0_i32_0 = arith.constant 0 : i32
    %c0_i32_1 = arith.constant 0 : i32
    return %arg0, %c0_i32, %c0_i32_0 : i32, i32, i32
  }
}

</mosaic_0001>

<sc_bundles>
// kernel: kernel.5.cloned.1.call-start
scs
__scs_entry_jumppad:
0x0: {  	(pc) =	sbr.rel $0x88, $3  }
0x1: {  	(tag) =	ssettag $0x0;
	lr =	simm.s32 $0x1  }
0x2: {  	[smem:$0x3FA0] =	sst lr;
	_ =	strace $0xD0000000  }
0x3: {  	_ = 	snop  }
0x4: {  	_ = 	snop  }
0x5: {  	_ = 	snop  }
0x6: {  	_ = 	snop  }
0x7: {  	_ = 	snop  }
__scs_overlays_trampoline_lowered:
0x8: {  	[smem:$0x3FAF] =	sst s0  }
0x9: {  	[smem:$0x3FB0] =	sst s1  }
0xa: {  	[smem:$0x3FB1] =	sst s2  }
0xb: {  	[smem:$0x3FB2] =	sst s3  }
0xc: {  	[smem:$0x3FB3] =	sst s4  }
0xd: {  	[smem:$0x3FB4] =	sst s5  }
0xe: {  	[smem:$0x3FB5] =	sst s6  }
0xf: {  	[smem:$0x3FB6] =	sst s7  }
0x10: {  	[smem:$0x3FB7] =	sst s8  }
0x11: {  	[smem:$0x3FB8] =	sst s9;
	s0 =	simm.s32 @!p0 $0x0  }
0x12: {  	s1 =	sld [smem:$0x3F9E];
	s0 =	simm.s32 @p0 $0x1  }
0x13: {  	[smem:$0x3FB9] =	sst s0;
	s0 =	simm.s32 @!p1 $0x0  }
0x14: {  	s2 =	sld [smem:$0x3F9D];
	s0 =	simm.s32 @p1 $0x1  }
0x15: {  	[smem:$0x3FBA] =	sst s0;
	s0 =	simm.s32 @!p2 $0x0  }
0x16: {  	s3 =	sld [smem:$0x3FDB];
	s0 =	simm.s32 @p2 $0x1  }
0x17: {  	s4 =	simm.s32 $0x1BF5;
	[smem:$0x3FBC] =	sst s0  }
0x18: {  	s0 =	sld [smem:$0x3F9F];
	_ =	swait.ge [sflag:s4], $0x0  }
0x19: {  	s7 =	sld [smem:$0x3FA0]  }
0x1a: {  	s8 =	sadd.s32 $0xFFFFE003, lr  }
0x1b: {  	s9 =	sadd.s32 $0xFFFFFEF7, lr;
	s5 =	simm.s32 $0xFFFFFFFF;
	p2 =	slt.u32 s8, $0xFFFFF086  }
0x1c: {  	p1 =	slt.u32 s9, $0xF7A;
	s5 =	simm.s32 @!p2 $0x0  }
0x1d: {  	s5 =	simm.s32 @p1 $0x1;
	p0 =	seq.s32 s7, s2  }
0x1e: {  	s7 =	smul.u32 @!p0 $0xF7A, s2;
	p2 =	seq.s32 @!p0 s5, $0x0  }
0x1f: {  	s9 =	smul.u32 $0xF7A, s1;
	s8 =	simm.s32 @!p0 $0x1BF5;
	p2 =	por !p2, p0  }
0x20: {  	[sflag:s8] =	ssyncset.s32 @!p0 $0xFFFFF086;
	s6 =	sadd.s32 @!p0 s3, s7;
	s7 =	simm.s32 @!p0 $0x108  }
0x21: {  	s3 =	sadd.s32 s3, s9;
	s6 =	sadd.s32 @!p0 $0x88, s6;
	s7 =	simm.s32 @p2 $0x1082  }
0x22: {  	[simem:s7], [sflag:s8] =	dma.local @!p0 [hbm:s6], $0xF7A  }
0x23: {  	s9 =	sor.u32 $0xD0000000, s2;
	s6 =	simm.s32 $0x108;
	_ =	swait.ge @!p0 [sflag:s8], $0x0  }
0x24: {  	s3 =	sadd.s32 $0x88, s3;
	s6 =	simm.s32 @!p1 $0x1082;
	[sflag:s4] =	ssyncset.s32 $0xFFFFF086  }
0x25: {  	[simem:s6], [sflag:s4] =	dma.local [hbm:s3], $0xF7A  }
0x26: {  	[smem:$0x3FA0] =	sst s1;
	(tag) =	ssettag s2;
	_ =	strace s9  }
0x27: {  	s1 =	sld [smem:$0x3FB0]  }
0x28: {  	s2 =	sld [smem:$0x3FB1]  }
0x29: {  	s4 =	sld [smem:$0x3FB3]  }
0x2a: {  	p0 =	seq.s32 s5, $0x0;
	s5 =	sld [smem:$0x3FB4]  }
0x2b: {  	s6 =	sld [smem:$0x3FB5]  }
0x2c: {  	s7 =	sld [smem:$0x3FB6]  }
0x2d: {  	s3 =	simm.s32 $0x108;
	s8 =	sld [smem:$0x3FB7]  }
0x2e: {  	s3 =	simm.s32 @!p0 $0x1082;
	s9 =	sld [smem:$0x3FB8]  }
0x2f: {  	lr =	sadd.s32 s0, s3;
	s0 =	sld [smem:$0x3FAF]  }
0x30: {  	s3 =	sld [smem:$0x3FB2]  }
0x31: {  	[smem:$0x3FBB] =	sst s10  }
0x32: {  	s10 =	sld [smem:$0x3FB9];
	_ =	sdelay $0x3  }
0x33: {  	p0 =	seq.s32 s10, $0x1;
	s10 =	sld [smem:$0x3FBB];
	_ =	sdelay $0x3  }
0x34: {  	[smem:$0x3FBB] =	sst s10  }
0x35: {  	s10 =	sld [smem:$0x3FBA];
	_ =	sdelay $0x3  }
0x36: {  	p1 =	seq.s32 s10, $0x1;
	s10 =	sld [smem:$0x3FBB];
	_ =	sdelay $0x3  }
0x37: {  	[smem:$0x3FBB] =	sst s10  }
0x38: {  	s10 =	sld [smem:$0x3FBC]  }
0x39: {  	_ = 	snop;
	(pc) =	sbr.ind lr, $3  }
0x3a: {  	_ = 	snop  }
0x3b: {  	_ = 	snop  }
0x3c: {  	p2 =	seq.s32 s10, $0x1;
	s10 =	sld [smem:$0x3FBB]  }
0x3d: {  	_ =	shalt  }
0x3e: {  	_ =	shalt  }
0x3f: {  	_ =	shalt  }
0x40: {  	_ =	shalt  }
0x41: {  	_ =	shalt  }
0x42: {  	_ =	shalt  }
0x43: {  	_ =	shalt  }
0x44: {  	_ =	shalt  }
0x45: {  	_ =	shalt  }
0x46: {  	_ =	shalt  }
0x47: {  	_ =	shalt  }
0x48: {  	_ =	shalt  }
0x49: {  	_ =	shalt  }
0x4a: {  	_ =	shalt  }
0x4b: {  	_ =	shalt  }
0x4c: {  	_ =	shalt  }
0x4d: {  	_ =	shalt  }
0x4e: {  	_ =	shalt  }
0x4f: {  	_ =	shalt  }
0x50: {  	_ =	shalt  }
0x51: {  	_ =	shalt  }
0x52: {  	_ =	shalt  }
0x53: {  	_ =	shalt  }
0x54: {  	_ =	shalt  }
0x55: {  	_ =	shalt  }
0x56: {  	_ =	shalt  }
0x57: {  	_ =	shalt  }
0x58: {  	_ =	shalt  }
0x59: {  	_ =	shalt  }
0x5a: {  	_ =	shalt  }
0x5b: {  	_ =	shalt  }
0x5c: {  	_ =	shalt  }
0x5d: {  	_ =	shalt  }
0x5e: {  	_ =	shalt  }
0x5f: {  	_ =	shalt  }
0x60: {  	_ =	shalt  }
0x61: {  	_ =	shalt  }
0x62: {  	_ =	shalt  }
0x63: {  	_ =	shalt  }
0x64: {  	_ =	shalt  }
0x65: {  	_ =	shalt  }
0x66: {  	_ =	shalt  }
0x67: {  	_ =	shalt  }
0x68: {  	_ =	shalt  }
0x69: {  	_ =	shalt  }
0x6a: {  	_ =	shalt  }
0x6b: {  	_ =	shalt  }
0x6c: {  	_ =	shalt  }
0x6d: {  	_ =	shalt  }
0x6e: {  	_ =	shalt  }
0x6f: {  	_ =	shalt  }
0x70: {  	_ =	shalt  }
0x71: {  	_ =	shalt  }
0x72: {  	_ =	shalt  }
0x73: {  	_ =	shalt  }
0x74: {  	_ =	shalt  }
0x75: {  	_ =	shalt  }
0x76: {  	_ =	shalt  }
0x77: {  	_ =	shalt  }
0x78: {  	_ =	shalt  }
0x79: {  	_ =	shalt  }
0x7a: {  	_ =	shalt  }
0x7b: {  	_ =	shalt  }
0x7c: {  	_ =	shalt  }
0x7d: {  	_ =	shalt  }
0x7e: {  	_ =	shalt  }
0x7f: {  	_ =	shalt  }
0x80: {  	_ =	shalt  }
0x81: {  	_ =	shalt  }
0x82: {  	_ =	shalt  }
0x83: {  	_ =	shalt  }
0x84: {  	_ =	shalt  }
0x85: {  	_ =	shalt  }
0x86: {  	_ =	shalt  }
0x87: {  	_ =	shalt  }
.Lfunc_end0:
.L_simem_size_0:
called_computation_lowered:
.L_overlay_start_0:
0x88: {  	s2 =	sld [smem:$0x3FD9]  }
0x89: {  	s3 =	sld [smem:$0x3FFE];
	_ =	sdelay $0x1  }
0x8a: {  	s1 =	srdreg.scid  }
0x8b: {  	s0 =	sand.u32 $0x1, s1  }
0x8c: {  	s17 =	sshll.u32 s0, $0xA;
	s2 =	sadd.s32 s3, s2  }
0x8d: {  	s2 =	sadd.s32 s2, s17  }
0x8e: {  	[smem:$0x3FC7] =	sst s2  }
0x8f: {  	_ = 	snop  }
0x90: {  	s2 =	sld [smem:$0x3FD0];
	(tm) =	ssettm $0x1  }
0x91: {  	s18 =	sld [smem:$0x3FFB];
	_ =	sdelay $0x3  }
0x92: {  	_ =	strace s18  }
0x93: {  	s3 =	sld [smem:$0x3FFC];
	_ =	sdelay $0x3  }
0x94: {  	_ =	strace s3  }
0x95: {  	s3 =	sld [smem:$0x3FFD];
	_ =	sdelay $0x3  }
0x96: {  	_ =	strace s3  }
0x97: {  	_ =	strace $0x8FFFFFFF  }
0x98: {  	s19 =	sld [smem:$0x3FDB];
	_ =	sdelay $0x1  }
0x99: {  	s4 =	simm.s32 $_scs_section_size  }
0x9a: {  	s5 =	simm.s32 $_size__tile_overlayer_lowered;
	s6 =	simm.s32 $_tile_overlayer_lowered  }
0x9b: {  	s22 =	simm.s32 $0x1BFF;
	s21 =	sshll.u32 s6, $0x1;
	s3 =	sadd.s32 s4, s19  }
0x9c: {  	s7 =	simm.s32 $0x0;
	s20 =	sshll.u32 s5, $0x1;
	s5 =	sadd.s32 s21, s3  }
0x9d: {  	[timem:s7], [sflag:s22] =	dma.local [hbm:s5], s20  }
0x9e: {  	_ =	swait.ge [sflag:s22], s20  }
0x9f: {  	s4 =	ssub.s32 $0x0, s20;
	[sflag:s22] =	ssyncset.done $0x0  }
0xa0: {  	[sflag:s22] =	ssyncadd.s32 s4;
	_ =	sdelay $0x1  }
0xa1: {  	s23 =	simm.s32 $0x1B8B  }
0xa2: {  	_ =	swait.ge [sflag:s23], $0x1  }
0xa3: {  	[sflag:s23] =	ssyncset.done $0x0  }
0xa4: {  	s25 =	simm.s32 $0x1B8E;
	s24 =	sld [smem:$0x3FFE];
	[sflag:s23] =	ssyncadd.s32 $0xFFFFFFFF  }
0xa5: {  	s26 =	simm.s32 $execute0_lowered;
	[smem:$0x3FD2] =	sst s25  }
0xa6: {  	s5 =	sshll.u32 s26, $0x1;
	_ =	strace $0x80000046;
	[dreg:$0x1] =	wrdreg $0xFFFFFFFF  }
0xa7: {  	s28 =	simm.s32 $_size_execute0_lowered;
	s3 =	sadd.s32 s3, s5;
	[dreg:$0x0] =	wrdreg $0x0  }
0xa8: {  	s5 =	sshll.u32 s28, $0x1;
	[dreg:$0x2] =	wrdreg s3  }
0xa9: {  	[dreg:$0x3] =	wrdreg s5  }
0xaa: {  	[dreg:$0x4] =	wrdreg $0xC0  }
0xab: {  	_ =	task [dreg:s7], $0x5FFFF  }
0xac: {  	[dreg:$0x1] =	wrdreg $0xFFFFFFFF  }
0xad: {  	[dreg:$0x0] =	wrdreg $0x60  }
0xae: {  	[dreg:$0x2] =	wrdreg s2  }
0xaf: {  	[dreg:$0x3] =	wrdreg s24  }
0xb0: {  	[dreg:$0x4] =	wrdreg $0x9  }
0xb1: {  	_ =	task.clear_ibuf [dreg:s7], $0x5FFFF;
	_ =	strace $0x90000046  }
0xb2: {  	s29 =	simm.s32 $0x9;
	_ =	strace $0x80000048  }
0xb3: {  	_ =	swait.ge [sflag:s29], $0x1  }
0xb4: {  	[sflag:s29] =	ssyncadd.s32 $0xFFFFFFFF  }
0xb5: {  	_ =	strace $0x90000048  }
0xb6: {  	_ =	sfence  }
0xb7: {  	s30 =	sld [smem:$0x0];
	_ =	sdelay $0x2  }
0xb8: {  	s31 =	sshll.u32 s1, $0xD;
	s1 =	sshrl.u32 s1, $0x2  }
0xb9: {  	s3 =	sand.u32 $0x4000, s31;
	s1 =	sadd.s32 s1, s30  }
0xba: {  	s0 =	sor.u32 s3, s0;
	s1 =	sshll.u32 s1, $0x11  }
0xbb: {  	s0 =	sor.u32 s1, s0  }
0xbc: {  	s0 =	sadd.s32 $0x8F2B, s0  }
0xbd: {  	[sflag:s0] =	ssyncadd.remote.s32 $0x1  }
0xbe: {  	_ =	sfence.sel $0xFFFF  }
0xbf: {  	[dreg:$0x0] =	wrdreg $0xFFFFFFFF;
	(pc) =	sbr.abs _section_cstart, $3  }
0xc0: {  	[dreg:$0x1] =	wrdreg $0xFFFFFFFF  }
0xc1: {  	_ =	task.clear_ibuf [dreg:s7], $0x2FFFF;
	_ =	strace $0x9FFFFFFF  }
0xc2: {  	(tm) =	ssettm $0x7FFFFFFF  }
0xc3: {  	_ =	shalt  }
tec
execute0_lowered:
.L_overlay_start_1:
0x0: {  	(tag) =	ssettag $0x1  }
0x1: {  	s3 =	rddreg [dreg:$0x0]  }
0x2: {  	s4 =	rddreg [dreg:$0x1]  }
0x3: {  	s0 =	rddreg [dreg:$0x2];
	s5 =	srdreg.scid  }
0x4: {  	s2 =	simm.s32 $0x0;
	s1 =	stileid.u32;
	s9 =	simm.s32 $0x1  }
0x5: {  	s10 =	simm.s32 $0x2;
	s11 =	simm.s32 $0x8000;
	s12 =	simm.s32 $0xC000  }
0x6: {  	s13 =	simm.s32 $0x3;
	s14 =	simm.s32 $0x0;
	s5 =	sand.u32 $0x1, s5  }
0x7: {  	s6 =	sshll.u32 s1, $0xC;
	s7 =	sshll.u32 s5, $0xB;
	s5 =	ssub.s32 $0x2, s5  }
0x8: {  	[smem:$0x7FF] =	sst s2;
	s6 =	sor.u32 s7, s6;
	s31 =	sshrl.u32 s5, $0x1  }
0x9: {  	_ =	strace $0x80000047;
	s8 =	sadd.s32 s6, s4;
	s7 =	ssub.s32 s5, s31  }
0xa: {  	v0 =	vimm.f32 $0.0e+00;
	v1 =	vlaneseq.u32;
	s3 =	sadd.s32 s3, s6;
	s4 =	sadd.s32 $0x2800, s8;
	s5 =	sadd.s32 $0x12800, s8  }
0xb: {  	v2 =	vor.u32 $0x100, v1;
	v3 =	vor.u32 $0x200, v1;
	v4 =	vor.u32 $0x300, v1;
	s6 =	sadd.s32 $0x22800, s8;
	s7 =	smax.u32 s7, $0x1;
	s8 =	simm.s32 $0x4000  }
.LBB2_1:
0xc: {  	[tilespmem:s2], [sflag:$0x1] =	stream.linear.gather [hbm4b:s3+s2], $0x4000, $0x38;
	[tilespmem:$0x10000] =	vst v63  }
0xd: {  	s15 =	sand.u32 $0x70, s2;
	s16 =	sand.u32 $0x1C00, s2  }
0xe: {  	s15 =	sor.u32 s15, s16  }
0xf: {  	[tilespmem:s8], [sflag:$0x2] =	stream.linear.gather [hbm4b:s4+s2], $0x4000, $0x38;
	[tilespmem:$0x10000] =	vst v63  }
0x10: {  	[tilespmem:s15+$0x8300] =	vst v0  }
0x11: {  	[tilespmem:s15+$0xC300] =	vst v0  }
0x12: {  	[tilespmem:s15+$0xC280] =	vst v0  }
0x13: {  	[tilespmem:s15+$0x8280] =	vst v0  }
0x14: {  	[tilespmem:s15+$0xC200] =	vst v0  }
0x15: {  	[tilespmem:s15+$0xC180] =	vst v0  }
0x16: {  	[tilespmem:s15+$0x8200] =	vst v0  }
0x17: {  	[tilespmem:s15+$0xC100] =	vst v0  }
0x18: {  	[tilespmem:s15+$0x8100] =	vst v0  }
0x19: {  	[tilespmem:s15+$0xC080] =	vst v0  }
0x1a: {  	[tilespmem:s15+$0x8080] =	vst v0  }
0x1b: {  	[tilespmem:s15+$0xC000] =	vst v0  }
0x1c: {  	s31 =	sor.u32 s2, s2;
	[tilespmem:s15+$0x8180] =	vst v0  }
0x1d: {  	s17 =	sor.u32 $0x380, s31;
	[tilespmem:s15+$0x8000] =	vst v0  }
0x1e: {  	[tilespmem:s17+$0x8000] =	vst v0  }
0x1f: {  	[tilespmem:s17+$0xC000] =	vst v0  }
0x20: {  	[tilespmem:s15+$0xE300] =	vst v0  }
0x21: {  	[tilespmem:s15+$0xA300] =	vst v0  }
0x22: {  	[tilespmem:s15+$0xA280] =	vst v0  }
0x23: {  	[tilespmem:s15+$0xE280] =	vst v0  }
0x24: {  	[tilespmem:s15+$0xE200] =	vst v0  }
0x25: {  	[tilespmem:s15+$0xA200] =	vst v0  }
0x26: {  	[tilespmem:s15+$0xE180] =	vst v0  }
0x27: {  	[tilespmem:s15+$0xA100] =	vst v0  }
0x28: {  	[tilespmem:s15+$0xE080] =	vst v0  }
0x29: {  	[tilespmem:s15+$0xA180] =	vst v0  }
0x2a: {  	[tilespmem:s15+$0xA080] =	vst v0  }
0x2b: {  	[tilespmem:s15+$0xE100] =	vst v0  }
0x2c: {  	[tilespmem:s15+$0xE000] =	vst v0  }
0x2d: {  	s19 =	simm.s32 $0x10;
	s18 =	sor.u32 $0x2380, s31;
	[tilespmem:s15+$0xA000] =	vst v0;
	s15 =	simm.s32 $0x80  }
.LBB2_2:
0x2e: {  	s17 =	sand.u32 $0x70, s19  }
0x2f: {  	s20 =	sand.u32 $0x1C00, s15;
	[tilespmem:s18+$0x8000] =	vst v0;
	s21 =	smov.u32 s19;
	s16 =	sadd.s32 $0x10, s19  }
0x30: {  	p0 =	sne.s32 s19, $0x3F0;
	s17 =	sor.u32 s17, s20;
	[tilespmem:s18+$0xC000] =	vst v0  }
0x31: {  	[tilespmem:s17+$0x8300] =	vst v0  }
0x32: {  	[tilespmem:s17+$0xC300] =	vst v0  }
0x33: {  	[tilespmem:s17+$0xC280] =	vst v0  }
0x34: {  	[tilespmem:s17+$0x8280] =	vst v0  }
0x35: {  	[tilespmem:s17+$0xC200] =	vst v0  }
0x36: {  	[tilespmem:s17+$0xC180] =	vst v0  }
0x37: {  	[tilespmem:s17+$0x8200] =	vst v0  }
0x38: {  	[tilespmem:s17+$0xC100] =	vst v0  }
0x39: {  	[tilespmem:s17+$0x8100] =	vst v0  }
0x3a: {  	[tilespmem:s17+$0xC080] =	vst v0  }
0x3b: {  	[tilespmem:s17+$0x8080] =	vst v0  }
0x3c: {  	[tilespmem:s17+$0xC000] =	vst v0  }
0x3d: {  	s18 =	sor.u32 s21, s15;
	[tilespmem:s17+$0x8180] =	vst v0  }
0x3e: {  	s19 =	sor.u32 $0x380, s18;
	[tilespmem:s17+$0x8000] =	vst v0  }
0x3f: {  	[tilespmem:s19+$0x8000] =	vst v0  }
0x40: {  	[tilespmem:s19+$0xC000] =	vst v0  }
0x41: {  	[tilespmem:s17+$0xE300] =	vst v0  }
0x42: {  	[tilespmem:s17+$0xA300] =	vst v0  }
0x43: {  	[tilespmem:s17+$0xA280] =	vst v0  }
0x44: {  	[tilespmem:s17+$0xE280] =	vst v0  }
0x45: {  	[tilespmem:s17+$0xE200] =	vst v0  }
0x46: {  	[tilespmem:s17+$0xA200] =	vst v0  }
0x47: {  	[tilespmem:s17+$0xE180] =	vst v0  }
0x48: {  	[tilespmem:s17+$0xA100] =	vst v0  }
0x49: {  	[tilespmem:s17+$0xE080] =	vst v0  }
.Ltmp0:
0x4a: {  	[tilespmem:s17+$0xA180] =	vst v0;
	(pc) =	sbr.rel @p0 .LBB2_2-.Ltmp0, $4  }
0x4b: {  	[tilespmem:s17+$0xA080] =	vst v0  }
0x4c: {  	[tilespmem:s17+$0xE100] =	vst v0  }
0x4d: {  	[tilespmem:s17+$0xE000] =	vst v0  }
0x4e: {  	s15 =	sadd.s32 $0x80, s15;
	s18 =	sor.u32 $0x2380, s18;
	s19 =	smov.u32 s16;
	[tilespmem:s17+$0xA000] =	vst v0  }
0x4f: {  	[tilespmem:s18+$0x8000] =	vst v0  }
0x50: {  	[tilespmem:s18+$0xC000] =	vst v0  }
0x51: {  	_ =	swait.ge [sflag:s9], $0x4000  }
0x52: {  	[sflag:s9] =	ssyncset.done $0x0  }
0x53: {  	[sflag:s9] =	ssyncadd.s32 $0xFFFFC000  }
0x54: {  	_ =	swait.ge [sflag:s10], $0x4000  }
0x55: {  	[sflag:s10] =	ssyncset.done $0x0  }
0x56: {  	s15 =	simm.s32 $0x0;
	[sflag:s10] =	ssyncadd.s32 $0xFFFFC000  }
.LBB2_4:
0x57: {  	s16 =	sshll.u32 s15, $0xA;
	s17 =	sshll.u32 s15, $0x7  }
0x58: {  	s16 =	sand.u32 $0x2000, s16;
	s17 =	sand.u32 $0x380, s17  }
0x59: {  	s16 =	sor.u32 s17, s16  }
0x5a: {  	v5 =	vld [tilespmem:s16+$0x0]  }
0x5b: {  	v6 =	vld [tilespmem:s16+$0x4000]  }
0x5c: {  	v7 =	vld [tilespmem:s16+$0x800]  }
0x5d: {  	v8 =	vld [tilespmem:s16+$0x4800]  }
0x5e: {  	s18 =	simm.s32 $0x1880;
	v9 =	vld [tilespmem:s16+$0x1000]  }
0x5f: {  	s29 =	simm.s32 $0x10;
	s18 =	sand.u32 $0x1C00, s18;
	v10 =	vld [tilespmem:s16+$0x5000]  }
0x60: {  	s20 =	simm.s32 $0x80;
	s19 =	sand.u32 $0x70, s29;
	v11 =	vld [tilespmem:s16+$0x1800];
	s18 =	sor.u32 s16, s18  }
0x61: {  	s20 =	sand.u32 $0x400, s20;
	v12 =	vld [tilespmem:s16+$0x5800];
	s18 =	sor.u32 s19, s18  }
0x62: {  	s21 =	simm.s32 $0x880;
	s20 =	sor.u32 s16, s20;
	v13 =	vld [tilespmem:s18+$0x0]  }
0x63: {  	s21 =	sand.u32 $0xC00, s21;
	s20 =	sor.u32 s19, s20;
	v14 =	vld [tilespmem:s18+$0x4000]  }
0x64: {  	s30 =	sor.u32 s16, s21;
	v15 =	vld [tilespmem:s20+$0x0];
	v5 =	vmul.f32 v5, v5;
	v6 =	vmul.f32 v6, v6  }
0x65: {  	s31 =	simm.s32 $0x1080;
	v16 =	vld [tilespmem:s20+$0x4000];
	s18 =	sor.u32 s19, s30;
	v7 =	vmul.f32 v7, v7;
	v8 =	vmul.f32 v8, v8  }
0x66: {  	s22 =	sand.u32 $0x1400, s31;
	v5 =	vadd.f32 v6, v5;
	v6 =	vmul.f32 v9, v9;
	v9 =	vmul.f32 v10, v10;
	v10 =	vld [tilespmem:s18+$0x0]  }
0x67: {  	s20 =	sor.u32 s16, s22;
	v7 =	vadd.f32 v8, v7;
	v8 =	vld [tilespmem:s18+$0x4000]  }
0x68: {  	s23 =	sor.u32 s19, s20;
	(xrf1) =	vsort.ascd.msk.f32 $0xffff, v5, v1;
	v5 =	vadd.f32 v9, v6  }
0x69: {  	v6 =	vld [tilespmem:s23+$0x0];
	v9 =	vmul.f32 v12, v12;
	(xrf1) =	vsort.ascd.msk.f32 $0xffff, v7, v2;
	v7 =	vmul.f32 v11, v11  }
0x6a: {  	s22 =	simm.s32 $0x100;
	v12 =	vmul.f32 v14, v14;
	v11 =	vld [tilespmem:s23+$0x4000];
	(xrf1) =	vsort.ascd.msk.f32 $0xffff, v5, v3;
	v5 =	vmul.f32 v13, v13  }
0x6b: {  	s24 =	simm.s32 $0x1900;
	s19 =	simm.s32 $0x20;
	s26 =	sand.u32 $0x400, s22;
	v13 =	vmul.f32 v16, v16;
	v7 =	vadd.f32 v9, v7;
	v9 =	vmul.f32 v15, v15  }
0x6c: {  	s21 =	sand.u32 $0x70, s19;
	s20 =	sor.u32 s16, s26;
	s18 =	sand.u32 $0x1C00, s24;
	v10 =	vmul.f32 v10, v10;
	v8 =	vmul.f32 v8, v8  }
0x6d: {  	s25 =	simm.s32 $0x310;
	s30 =	sor.u32 s21, s20;
	s18 =	sor.u32 s16, s18;
	v5 =	vadd.f32 v12, v5  }
0x6e: {  	s18 =	sor.u32 s21, s18;
	s23 =	simm.s32 $0x1100;
	(xrf1) =	vsort.ascd.msk.f32 $0xffff, v7, v4;
	v7 =	vor.u32 s25, v1;
	v9 =	vadd.f32 v13, v9;
	v8 =	vadd.f32 v8, v10;
	v10 =	vld [tilespmem:s30+$0x4000]  }
0x6f: {  	s28 =	simm.s32 $0x110;
	v12 =	vor.u32 s29, v1;
	s29 =	simm.s32 $0x900;
	v6 =	vmul.f32 v6, v6;
	s25 =	sand.u32 $0x1400, s23;
	v11 =	vmul.f32 v11, v11;
	(xrf1) =	vsort.dscd.msk.f32 $0xffff, v5, v7;
	v5 =	vld [tilespmem:s18+$0x0]  }
0x70: {  	s31 =	sand.u32 $0xC00, s29;
	v7 =	vor.u32 s28, v1;
	(xrf1) =	vsort.dscd.msk.f32 $0xffff, v9, v12;
	v9 =	vld [tilespmem:s18+$0x4000];
	s18 =	sor.u32 s16, s25  }
0x71: {  	s22 =	simm.s32 $0x210;
	s20 =	sor.u32 s16, s31;
	v6 =	vadd.f32 v11, v6;
	(xrf1) =	vsort.dscd.msk.f32 $0xffff, v8, v7;
	v7 =	vld [tilespmem:s30+$0x0];
	s26 =	sor.u32 s21, s18  }
0x72: {  	s24 =	sor.u32 s21, s20;
	v8 =	vor.u32 s22, v1;
	v11 =	vld [tilespmem:s26+$0x0]  }
0x73: {  	(xrf1) =	vsort.dscd.msk.f32 $0xffff, v6, v8;
	v6 =	vld [tilespmem:s24+$0x0]  }
0x74: {  	v8 =	vld [tilespmem:s24+$0x4000];
	_ =	sdelay $0x1  }
0x75: {  	v12 =	vld [tilespmem:s26+$0x4000];
	v9 =	vmul.f32 v9, v9  }
0x76: {  	v10 =	vmul.f32 v10, v10;
	v7 =	vmul.f32 v7, v7  }
0x77: {  	v5 =	vmul.f32 v5, v5;
	v6 =	vmul.f32 v6, v6  }
0x78: {  	s28 =	simm.s32 $0x320;
	v14, v13, _ =	vpop (xrf1);
	v8 =	vmul.f32 v8, v8;
	v7 =	vadd.f32 v10, v7;
	v10 =	vmul.f32 v11, v11  }
0x79: {  	v15 =	vor.u32 s28, v1;
	v5 =	vadd.f32 v9, v5;
	v17, v62, _ =	vpop (xrf1)  }
0x7a: {  	v11 =	vmul.f32 v12, v12;
	v18, v9, _ =	vpop (xrf1);
	v6 =	vadd.f32 v8, v6  }
0x7b: {  	v20 =	vor.u32 s19, v1;
	s29 =	simm.s32 $0x120;
	s23 =	simm.s32 $0x220;
	s18 =	simm.s32 $0x1980;
	(xrf1) =	vsort.dscd.msk.f32 $0xffff, v5, v15;
	v19, v12, _ =	vpop (xrf1)  }
0x7c: {  	s17 =	simm.s32 $0x30;
	s30 =	sand.u32 $0x1C00, s18;
	v5 =	vor.u32 s29, v1;
	v8 =	vadd.f32 v11, v10;
	(xrf1) =	vsort.dscd.msk.f32 $0xffff, v7, v20;
	v11 =	vor.u32 s23, v1;
	v15, v21, _ =	vpop (xrf1)  }
0x7d: {  	s19 =	sand.u32 $0x70, s17;
	s31 =	simm.s32 $0x180;
	s21 =	sor.u32 s16, s30;
	(xrf1) =	vsort.dscd.msk.f32 $0xffff, v6, v5;
	v7, v10, _ =	vpop (xrf1)  }
0x7e: {  	s22 =	sand.u32 $0x400, s31;
	s21 =	sor.u32 s19, s21;
	(xrf1) =	vsort.dscd.msk.f32 $0xffff, v8, v11;
	v6, v22, _ =	vpop (xrf1);
	vm0 =	vgt.f32 v7, v14  }
0x7f: {  	s25 =	simm.s32 $0x980;
	s24 =	sor.u32 s16, s22;
	v63 =	vld [tilespmem:s21+$0x0];
	v7 =	vsel vm0, v7, v14;
	v8 =	vsel vm0, v10, v13;
	vm13 =	vgt.f32 v6, v17  }
0x80: {  	s22 =	sand.u32 $0xC00, s25;
	s20 =	sor.u32 s19, s24;
	v23 =	vld [tilespmem:s21+$0x4000];
	v10, v11, _ =	vpop (xrf1);
	v13 =	vsel vm13, v6, v17;
	v14 =	vsel vm13, v22, v62;
	(xrf1) =	vsort.ascd.msk.f32 $0xffff, v7, v8  }
0x81: {  	s28 =	simm.s32 $0x1180;
	s26 =	sor.u32 s16, s22;
	v5 =	vld [tilespmem:s20+$0x0];
	vm14 =	vgt.f32 v10, v18;
	(xrf1) =	vsort.ascd.msk.f32 $0xffff, v13, v14  }
0x82: {  	s30 =	sand.u32 $0x1400, s28;
	s29 =	sor.u32 s19, s26;
	vm15 =	vgt.f32 v15, v19;
	v6 =	vld [tilespmem:s20+$0x4000];
	v10 =	vsel vm14, v10, v18;
	v9 =	vsel vm14, v11, v9  }
0x83: {  	s21 =	sor.u32 s16, s30;
	v12 =	vsel vm15, v21, v12;
	v7 =	vld [tilespmem:s29+$0x0];
	v11 =	vsel vm15, v15, v19;
	(xrf1) =	vsort.ascd.msk.f32 $0xffff, v10, v9  }
0x84: {  	s31 =	sor.u32 s19, s21;
	v8 =	vld [tilespmem:s29+$0x4000];
	(xrf1) =	vsort.ascd.msk.f32 $0xffff, v11, v12  }
0x85: {  	v9 =	vld [tilespmem:s31+$0x0]  }
0x86: {  	v10 =	vld [tilespmem:s31+$0x4000]  }
0x87: {  	s19 =	simm.s32 $0x330;
	s20 =	simm.s32 $0x340;
	v11 =	vmul.f32 v63, v63;
	v12 =	vmul.f32 v23, v23  }
.LBB2_5:
0x88: {  	v5 =	vmul.f32 v5, v5;
	v6 =	vmul.f32 v6, v6  }
0x89: {  	p0 =	sne.s32 s20, $0x3F0;
	v13 =	vor.u32 s19, v1;
	v14, v15, _ =	vpop (xrf1);
	v23 =	vmul.f32 v7, v7  }
0x8a: {  	v21 =	vmul.f32 v8, v8;
	v19 =	vadd.f32 v12, v11;
	v12, v16, _ =	vpop (xrf1);
	v5 =	vadd.f32 v6, v5  }
0x8b: {  	v6 =	vmul.f32 v9, v9;
	v22 =	vmul.f32 v10, v10;
	v10, v17, _ =	vpop (xrf1)  }
0x8c: {  	v18 =	vor.u32 s17, v1;
	s21 =	sadd.s32 $0xFFFFFE00, s19;
	s18 =	sadd.s32 $0x80, s18;
	v20 =	vadd.f32 v21, v23;
	(xrf1) =	vsort.dscd.msk.f32 $0xffff, v19, v13;
	v8, v11, _ =	vpop (xrf1)  }
0x8d: {  	s17 =	sadd.s32 $0xFFFFFD00, s20;
	s19 =	sadd.s32 $0xFFFFFF00, s19;
	s22 =	sand.u32 $0x1C00, s18;
	v13 =	vor.u32 s21, v1;
	v19 =	vadd.f32 v22, v6;
	(xrf1) =	vsort.dscd.msk.f32 $0xffff, v5, v18  }
0x8e: {  	s23 =	sadd.s32 $0xFFFFE800, s18;
	s22 =	sor.u32 s16, s22;
	s21 =	sand.u32 $0x70, s17;
	v18 =	vor.u32 s19, v1;
	(xrf1) =	vsort.dscd.msk.f32 $0xffff, v20, v13;
	v9, v7, _ =	vpop (xrf1)  }
0x8f: {  	s23 =	sand.u32 $0x400, s23;
	s22 =	sor.u32 s21, s22;
	s19 =	smov.u32 s20;
	(xrf1) =	vsort.dscd.msk.f32 $0xffff, v19, v18;
	vm0 =	vgt.f32 v12, v9;
	v6, v5, _ =	vpop (xrf1)  }
0x90: {  	s24 =	sadd.s32 $0xFFFFF000, s18;
	s23 =	sor.u32 s16, s23;
	v18 =	vsel vm0, v12, v9;
	v19 =	vsel vm0, v16, v7;
	v13 =	vld [tilespmem:s22+$0x0];
	vm0 =	vgt.f32 v10, v6  }
0x91: {  	s24 =	sand.u32 $0xC00, s24;
	s23 =	sor.u32 s21, s23;
	v12 =	vld [tilespmem:s22+$0x4000];
	v6 =	vsel vm0, v10, v6;
	v17 =	vsel vm0, v17, v5;
	(xrf1) =	vsort.ascd.msk.f32 $0xffff, v18, v19;
	v9, v7, _ =	vpop (xrf1)  }
0x92: {  	s22 =	sor.u32 s16, s24;
	s24 =	sadd.s32 $0xFFFFF800, s18;
	v5 =	vld [tilespmem:s23+$0x0];
	vm0 =	vgt.f32 v8, v9;
	(xrf1) =	vsort.ascd.msk.f32 $0xffff, v6, v17;
	v16, v10, _ =	vpop (xrf1)  }
0x93: {  	s22 =	sor.u32 s21, s22;
	v6 =	vld [tilespmem:s23+$0x4000];
	s23 =	sand.u32 $0x1400, s24;
	v8 =	vsel vm0, v8, v9;
	v9 =	vsel vm0, v11, v7;
	vm0 =	vgt.f32 v14, v16  }
0x94: {  	v7 =	vld [tilespmem:s22+$0x0];
	s23 =	sor.u32 s16, s23;
	v11 =	vsel vm0, v14, v16;
	v10 =	vsel vm0, v15, v10;
	(xrf1) =	vsort.ascd.msk.f32 $0xffff, v8, v9  }
.Ltmp1:
0x95: {  	v8 =	vld [tilespmem:s22+$0x4000];
	s21 =	sor.u32 s21, s23;
	(xrf1) =	vsort.ascd.msk.f32 $0xffff, v11, v10;
	(pc) =	sbr.rel @p0 .LBB2_5-.Ltmp1, $3  }
0x96: {  	v9 =	vld [tilespmem:s21+$0x0]  }
0x97: {  	v10 =	vld [tilespmem:s21+$0x4000];
	_ =	sdelay $0x1  }
0x98: {  	s20 =	sadd.s32 $0x10, s20;
	v11 =	vmul.f32 v13, v13;
	v12 =	vmul.f32 v12, v12  }
0x99: {  	v5 =	vmul.f32 v5, v5;
	v6 =	vmul.f32 v6, v6  }
0x9a: {  	v7 =	vmul.f32 v7, v7;
	v8 =	vmul.f32 v8, v8  }
0x9b: {  	v5 =	vadd.f32 v6, v5;
	v6 =	vmul.f32 v9, v9;
	v44 =	vmul.f32 v10, v10  }
0x9c: {  	v11 =	vadd.f32 v12, v11  }
0x9d: {  	v13 =	vor.u32 s19, v1;
	v14, v15, _ =	vpop (xrf1);
	v7 =	vadd.f32 v8, v7;
	v6 =	vadd.f32 v44, v6  }
0x9e: {  	v18 =	vor.u32 s17, v1;
	s31 =	sadd.s32 $0xFFFFFF00, s19;
	v43, v16, _ =	vpop (xrf1);
	(xrf1) =	vsort.dscd.msk.f32 $0xffff, v11, v13  }
0x9f: {  	s16 =	sadd.s32 $0xFFFFFE00, s19;
	v45, v17, _ =	vpop (xrf1);
	(xrf1) =	vsort.dscd.msk.f32 $0xffff, v5, v18;
	v5 =	vor.u32 s31, v1  }
0xa0: {  	v48 =	vor.u32 s16, v1;
	v46, v47, _ =	vpop (xrf1)  }
0xa1: {  	(xrf1) =	vsort.dscd.msk.f32 $0xffff, v7, v48;
	v7, v49, _ =	vpop (xrf1)  }
0xa2: {  	(xrf1) =	vsort.dscd.msk.f32 $0xffff, v6, v5;
	vm0 =	vgt.f32 v43, v7;
	v5, v6, _ =	vpop (xrf1)  }
0xa3: {  	v7 =	vsel vm0, v43, v7;
	v9 =	vsel vm0, v16, v49;
	vm6 =	vgt.f32 v45, v5  }
0xa4: {  	(xrf1) =	vsort.ascd.msk.f32 $0xffff, v7, v9;
	v5 =	vsel vm6, v45, v5;
	v6 =	vsel vm6, v17, v6  }
0xa5: {  	(xrf1) =	vsort.ascd.msk.f32 $0xffff, v5, v6;
	_ =	sdelay $0x6  }
0xa6: {  	v5, v6, _ =	vpop (xrf1)  }
0xa7: {  	v7, v9, _ =	vpop (xrf1);
	vm7 =	vgt.f32 v46, v5  }
0xa8: {  	v51, v50, _ =	vpop (xrf1);
	v5 =	vsel vm7, v46, v5;
	v6 =	vsel vm7, v47, v6;
	vm8 =	vgt.f32 v14, v7  }
0xa9: {  	v52, v53, _ =	vpop (xrf1);
	v9 =	vsel vm8, v15, v9;
	(xrf1) =	vsort.ascd.msk.f32 $0xffff, v5, v6  }
0xaa: {  	v7 =	vsel vm8, v14, v7;
	v55, v54, _ =	vpop (xrf1)  }
0xab: {  	(xrf1) =	vsort.ascd.msk.f32 $0xffff, v7, v9;
	v56, v57, _ =	vpop (xrf1)  }
0xac: {  	v5, v6, _ =	vpop (xrf1)  }
0xad: {  	vm9 =	vgt.f32 v52, v5;
	v7, v9, _ =	vpop (xrf1)  }
0xae: {  	v5 =	vsel vm9, v52, v5;
	v6 =	vsel vm9, v53, v6;
	vm10 =	vgt.f32 v55, v7  }
0xaf: {  	(xrf1) =	vsort.ascd.msk.f32 $0xffff, v5, v6;
	v7 =	vsel vm10, v55, v7;
	v9 =	vsel vm10, v54, v9  }
0xb0: {  	(xrf1) =	vsort.ascd.msk.f32 $0xffff, v7, v9;
	_ =	sdelay $0x6  }
0xb1: {  	v5, v6, _ =	vpop (xrf1)  }
0xb2: {  	vm11 =	vgt.f32 v56, v5  }
0xb3: {  	v7, v9, _ =	vpop (xrf1);
	v6 =	vsel vm11, v57, v6  }
0xb4: {  	v5 =	vsel vm11, v56, v5;
	vm12 =	vgt.f32 v51, v7  }
0xb5: {  	v7 =	vsel vm12, v51, v7;
	_ =	sdelay $0x1  }
0xb6: {  	v58 =	vsel vm12, v50, v9;
	(xrf1) =	vsort.ascd.msk.f32 $0xffff, v5, v6;
	v5, v6, _ =	vpop (xrf1)  }
0xb7: {  	(xrf1) =	vsort.ascd.msk.f32 $0xffff, v7, v58;
	v7, v8, _ =	vpop (xrf1)  }
0xb8: {  	(xrf1) =	vsort.dscd.msk.f32 $0xffff, v7, v8;
	_ =	sdelay $0xb  }
0xb9: {  	v7, v8, _ =	vpop (xrf1)  }
0xba: {  	v60, v59, _ =	vpop (xrf1)  }
0xbb: {  	v61, v62, _ =	vpop (xrf1)  }
0xbc: {  	vm13 =	vgt.f32 v61, v5  }
0xbd: {  	v5 =	vsel vm13, v61, v5;
	v6 =	vsel vm13, v62, v6  }
0xbe: {  	(xrf1) =	vsort.ascd.msk.f32 $0xffff, v5, v6  }
0xbf: {  	(xrf1) =	vsort.dscd.msk.f32 $0xffff, v60, v59;
	_ =	sdelay $0xc  }
0xc0: {  	v5, v6, _ =	vpop (xrf1)  }
0xc1: {  	v9, v10, _ =	vpop (xrf1)  }
0xc2: {  	vm14 =	vgt.f32 v9, v7  }
0xc3: {  	v7 =	vsel vm14, v9, v7;
	v8 =	vsel vm14, v10, v8  }
0xc4: {  	(xrf1) =	vsort.ascd.msk.f32 $0xffff, v7, v8;
	_ =	sdelay $0xd  }
0xc5: {  	v7, v8, _ =	vpop (xrf1)  }
0xc6: {  	(xrf1) =	vsort.dscd.msk.f32 $0xffff, v7, v8;
	_ =	sdelay $0xd  }
0xc7: {  	v7, v8, _ =	vpop (xrf1)  }
0xc8: {  	vm15 =	vgt.f32 v7, v5  }
0xc9: {  	v5 =	vsel vm15, v7, v5;
	v6 =	vsel vm15, v8, v6  }
0xca: {  	(xrf1) =	vsort.ascd.msk.f32 $0xffff, v5, v6;
	_ =	sdelay $0xd  }
0xcb: {  	v6 =	vmov s15;
	_, v5, _ =	vpop (xrf1)  }
0xcc: {  	v7 =	vshll.u32 v6, $0xA;
	v63 =	vshll.u32 v5, $0x3  }
0xcd: {  	v6 =	vshll.u32 v6, $0x7;
	v7 =	vand.u32 $0x2000, v7;
	v8 =	vand.u32 $0xFFFFFC00, v63  }
0xce: {  	v6 =	vand.u32 $0x380, v6;
	v7 =	vadd.s32 v7, v8  }
0xcf: {  	v5 =	vand.u32 $0x7F, v5;
	v6 =	vor.u32 v6, v7  }
0xd0: {  	v5 =	vor.u32 v5, v6;
	_ =	sdelay $0x4  }
0xd1: {  	v6 =	vld.idx.msk [tilespmem:v5+s2+$0x0], $0xffff  }
0xd2: {  	v7 =	vld.idx.msk [tilespmem:v5+s8+$0x0], $0xffff  }
0xd3: {  	s15 =	sadd.s32 $0x1, s15  }
0xd4: {  	p0 =	sne.s32 s15, $0x10  }
.Ltmp2:
0xd5: {  	_ = 	snop;
	(pc) =	sbr.rel @p0 .LBB2_4-.Ltmp2, $4  }
0xd6: {  	v6 =	vmul.f32 $9.765625000e-04, v6  }
0xd7: {  	v7 =	vmul.f32 $9.765625000e-04, v7  }
0xd8: {  	[tilespmem:v5+s11+$0x0] =	vst.idx.msk $0xffff, v6  }
0xd9: {  	[tilespmem:v5+s12+$0x0] =	vst.idx.msk $0xffff, v7  }
0xda: {  	[hbm4b:s5+s2] =	stream.linear.scatter [tilespmem:s11], [sflag:$0x3], $0x4000, $0x38;
	[tilespmem:$0x10000] =	vst v63  }
0xdb: {  	s14 =	sadd.s32 $0x1, s14;
	_ =	swait.ge [sflag:s13], $0x4000  }
0xdc: {  	p0 =	sne.s32 s14, s7;
	[sflag:s13] =	ssyncset.done $0x0  }
.Ltmp3:
0xdd: {  	[sflag:s13] =	ssyncadd.s32 $0xFFFFC000;
	(pc) =	sbr.rel @p0 .LBB2_1-.Ltmp3, $4  }
0xde: {  	[hbm4b:s6+s2] =	stream.linear.scatter [tilespmem:s12], [sflag:$0x3], $0x4000, $0x38;
	[tilespmem:$0x10000] =	vst v63  }
0xdf: {  	_ =	swait.ge [sflag:s13], $0x4000  }
0xe0: {  	[sflag:s13] =	ssyncset.done $0x0  }
0xe1: {  	[sflag:s13] =	ssyncadd.s32 $0xFFFFC000  }
0xe2: {  	_ =	sfence.sel $0x180000  }
0xe3: {  	[bflag:$0x0] =	sbarrier.arrive $0xFFFF  }
0xe4: {  	p0 =	sne.s32 s1, $0x0;
	_ =	strace $0x90000047  }
0xe5: {  	s0 =	sadd.s32 @!p0 $0x100000, s0;
	[bflag:$0x2] =	sbarrier.arrive $0xFFFF  }
0xe6: {  	[sflag:s0] =	ssyncadd.tile.s32 @!p0 $0x1;
	_ =	shalt  }
.Lfunc_end2:
_tile_overlayer_lowered:
.L_overlay_start_2:
0xe7: {  	(tag) =	ssettag $0x2  }
0xe8: {  	s0 =	rddreg [dreg:$0x0];
	s2 =	stileid.u32  }
0xe9: {  	s1 =	rddreg [dreg:$0x1];
	p0 =	sne.s32 s2, $0x0  }
0xea: {  	s3 =	rddreg [dreg:$0x2];
	[bflag:$0x3] =	sbarrier.arrive $0xFFFF;
	s2 =	simm.s32 @!p0 $0x1C03  }
0xeb: {  	[timem:s3], [sflag:s2] =	dma.local @!p0 [hbm:s0], s1  }
0xec: {  	s0 =	simm.s32 @!p0 $0x3  }
0xed: {  	_ =	swait.ge @!p0 [sflag:s0], s1  }
0xee: {  	s1 =	ssub.s32 @!p0 $0x0, s1;
	[sflag:s0] =	ssyncset.done @!p0 $0x0  }
0xef: {  	[sflag:s0] =	ssyncadd.s32 @!p0 s1  }
0xf0: {  	[bflag:$0x3] =	sbarrier.arrive $0xFFFF  }
0xf1: {  	_ =	shalt  }

</sc_bundles>
